<compile_context>
chip_gen: v7x
topology: tpu7x:2x2x1
jax: 0.10.2.dev20260603
libtpu: 0.0.44.dev20260713+nightly
codegen_flags: <defaults>
</compile_context>

<pallas_src>
import functools

import jax
import jax.numpy as jnp
from jax import lax
from jax.experimental import pallas as pl
from jax.experimental.pallas import tpu as pltpu
from jax.experimental.pallas import tpu_sc as plsc

_NUM_ROWS = 100000
_DIM = 64
_TOTAL_IDX = 26 * 4096 * 20

_NC = 2
_NS = 16
_L = 16
_NW = _NC * _NS

_PER_W = _TOTAL_IDX // _NW
_NCHUNK = 8
_CHUNK = _PER_W // _NCHUNK
_GROUPS = _CHUNK // _L


_TC_BLK = 10000


def _row_scores_body(tbl_ref, w_ref, o_ref):
    o_ref[...] = jnp.sum(tbl_ref[...] * w_ref[...], axis=1, keepdims=True)


def _row_scores(table, W):
    return pl.pallas_call(
        _row_scores_body,
        grid=(_NUM_ROWS // _TC_BLK,),
        in_specs=[
            pl.BlockSpec((_TC_BLK, _DIM), lambda i: (i, 0)),
            pl.BlockSpec((1, _DIM), lambda i: (0, 0)),
        ],
        out_specs=pl.BlockSpec((_TC_BLK, 1), lambda i: (i, 0)),
        out_shape=jax.ShapeDtypeStruct((_NUM_ROWS, 1), jnp.float32),
    )(table, W)



_sc_mesh = plsc.VectorSubcoreMesh(core_axis_name="c", subcore_axis_name="s")


@functools.partial(
    pl.kernel,
    out_type=jax.ShapeDtypeStruct((_NW, _L), jnp.float32),
    mesh=_sc_mesh,
    scratch_types=[
        pltpu.VMEM((_NUM_ROWS,), jnp.float32),
        pltpu.VMEM((_CHUNK,), jnp.int32),
        pltpu.VMEM((_CHUNK,), jnp.int32),
        pltpu.VMEM((_L,), jnp.float32),
        pltpu.SemaphoreType.DMA,
        pltpu.SemaphoreType.DMA,
    ],
    compiler_params=pltpu.CompilerParams(needs_layout_passes=False),
)
def _sc_gather_sum(t_hbm, idx_hbm, out_hbm,
                   t_v, idx_a, idx_b, stage_v,
                   sem_a, sem_b):
    wid = lax.axis_index("s") * _NC + lax.axis_index("c")
    base = wid * _PER_W

    bufs = (idx_a, idx_b)
    sems = (sem_a, sem_b)

    t_cp = pltpu.async_copy(t_hbm, t_v, sem_b)
    cp0 = pltpu.async_copy(idx_hbm.at[pl.ds(base, _CHUNK)], idx_a, sem_a)
    t_cp.wait()
    cp0.wait()

    def chunk_sum(buf, acc):
        def body(g, acc):
            idx16 = buf[pl.ds(g * _L, _L)]
            return acc + plsc.load_gather(t_v, [idx16])
        return lax.fori_loop(0, _GROUPS, body, acc, unroll=4)

    acc = jnp.zeros((_L,), jnp.float32)
    for c in range(_NCHUNK):
        if c + 1 < _NCHUNK:
            nxt = pltpu.async_copy(
                idx_hbm.at[pl.ds(base + (c + 1) * _CHUNK, _CHUNK)],
                bufs[(c + 1) % 2], sems[(c + 1) % 2])
        acc = chunk_sum(bufs[c % 2], acc)
        if c + 1 < _NCHUNK:
            nxt.wait()

    stage_v[...] = acc
    pltpu.sync_copy(stage_v, out_hbm.at[wid])


def kernel(values, table, W, b):
    idx = values.astype(jnp.int32).reshape(-1)
    t = _row_scores(table, W).reshape(-1)
    partials = _sc_gather_sum(t, idx)
    return jnp.sum(partials).reshape(1) + b

# --- scband reference (transcript-rebuilt; emitter-appended) ---
"""Pipeline reference for scband-test-sequential-model-13477607375386 (READ-ONLY COPY).

The authoritative reference and input builder live on the scoring server;
editing this copy changes nothing except your own understanding.
"""

import jax, jax.numpy as jnp
import numpy as np

NUM_EMB = 100000
DIM = 64
NFIELDS = 26
BATCH = 4096
LPF = 20  # lookups per feature per sample (KJT jagged lengths, modeled as fixed)


def setup_inputs(seed: int = 0) -> dict:
    key = jax.random.key(seed)
    k1, k2, k3 = jax.random.split(key, 3)
    # KJT values: indices for every (feature, sample, lookup) slot.
    values = jax.random.randint(k1, (NFIELDS, BATCH, LPF), 0, NUM_EMB, dtype=jnp.int64)
    # Shared embedding table (EmbeddingCollection with feature-shared table).
    table = jax.random.normal(k2, (NUM_EMB, DIM), dtype=jnp.float32) * 0.01
    # over_arch = Linear(embedding_dim, 1)
    W = jax.random.normal(k3, (1, DIM), dtype=jnp.float32) * 0.1
    b = jnp.zeros((1,), dtype=jnp.float32)
    return {"values": values, "table": table, "W": W, "b": b}


def reference(values, table, W, b):
    # EmbeddingCollection lookup: gather one embedding per KJT value.
    emb = jnp.take(table, values, axis=0)            # [F, B, L, D]
    # Forward iterates over keys, extends all per-sample dense jagged embeddings
    # into one flat collection, then torch.sum(...) reduces over the lookup axis.
    sparse_features = jnp.sum(emb.reshape(-1, emb.shape[-1]), axis=0)  # [D]
    # over_arch linear layer.
    return sparse_features @ W.T + b                 # [1]

if __name__ == "__main__":
    import jax
    _d = setup_inputs()
    print(jax.jit(kernel)(*tuple(_d.values())))

</pallas_src>

<mosaic_0001>
#map = affine_map<(d0, d1) -> (0)>
#map1 = affine_map<(d0, d1) -> (0, 0)>
module attributes {stable_mosaic.version = 14 : i64} {
  func.func @_sc_gather_sum(%arg0: i32, %arg1: i32, %arg2: memref<100000xf32, #tpu.memory_space<hbm>>, %arg3: memref<2129920xi32, #tpu.memory_space<hbm>>, %arg4: memref<32x16xf32, #tpu.memory_space<hbm>>, %arg5: memref<100000xf32, #tpu.memory_space<vmem>>, %arg6: memref<8320xi32, #tpu.memory_space<vmem>>, %arg7: memref<8320xi32, #tpu.memory_space<vmem>>, %arg8: memref<16xf32, #tpu.memory_space<vmem>>, %arg9: memref<!tpu.dma_semaphore, #tpu.memory_space<semaphore_mem>>, %arg10: memref<!tpu.dma_semaphore, #tpu.memory_space<semaphore_mem>>) attributes {dimension_semantics = [#tpu.dimension_semantics<core_parallel>, #tpu.dimension_semantics<subcore_parallel>], iteration_bounds = array<i64: 2, 16>, scalar_prefetch = 0 : i64, scratch_operands = 6 : i64, tpu.core_type = #tpu.core_type<sc_vector_subcore>, window_params = [{transform_indices = #map}, {transform_indices = #map}, {transform_indices = #map1}]} {
    %mul3A = arith.constant 2 : i32
    %mul3A_0 = arith.muli %arg1, %mul3A : i32
    %add3A = arith.addi %mul3A_0, %arg0 : i32
    %mul3A_1 = arith.constant 66560 : i32
    %mul3A_2 = arith.muli %add3A, %mul3A_1 : i32
    tpu.enqueue_dma source(%arg2 : memref<100000xf32, #tpu.memory_space<hbm>>) target(%arg5 : memref<100000xf32, #tpu.memory_space<vmem>>) target_semaphore(%arg10 : memref<!tpu.dma_semaphore, #tpu.memory_space<semaphore_mem>>)
    %dma_start3A = tpu.memref_slice %arg3[%mul3A_2] : memref<2129920xi32, #tpu.memory_space<hbm>> -> memref<8320xi32, #tpu.memory_space<hbm>>
    %dma_start3A_3 = tpu.memref_slice %arg3[%mul3A_2] : memref<2129920xi32, #tpu.memory_space<hbm>> -> memref<8320xi32, #tpu.memory_space<hbm>>
    tpu.enqueue_dma source(%dma_start3A_3 : memref<8320xi32, #tpu.memory_space<hbm>>) target(%arg6 : memref<8320xi32, #tpu.memory_space<vmem>>) target_semaphore(%arg9 : memref<!tpu.dma_semaphore, #tpu.memory_space<semaphore_mem>>)
    tpu.wait_dma2 semaphore(%arg10 : memref<!tpu.dma_semaphore, #tpu.memory_space<semaphore_mem>>) src(%arg2 : memref<100000xf32, #tpu.memory_space<hbm>>) dst(%arg5 : memref<100000xf32, #tpu.memory_space<vmem>>)
    %dma_wait3A = tpu.memref_slice %arg3[%mul3A_2] : memref<2129920xi32, #tpu.memory_space<hbm>> -> memref<8320xi32, #tpu.memory_space<hbm>>
    %dma_wait3A_4 = tpu.memref_slice %arg3[%mul3A_2] : memref<2129920xi32, #tpu.memory_space<hbm>> -> memref<8320xi32, #tpu.memory_space<hbm>>
    tpu.wait_dma2 semaphore(%arg9 : memref<!tpu.dma_semaphore, #tpu.memory_space<semaphore_mem>>) src(%dma_wait3A_4 : memref<8320xi32, #tpu.memory_space<hbm>>) dst(%arg6 : memref<8320xi32, #tpu.memory_space<vmem>>)
    %broadcast_in_dim3A = arith.constant 0.000000e+00 : f32
    %broadcast_in_dim3A_5 = vector.broadcast %broadcast_in_dim3A : f32 to vector<16xf32>
    %add3A_6 = arith.constant 8320 : i32
    %add3A_7 = arith.addi %mul3A_2, %add3A_6 : i32
    %dma_start3A_8 = tpu.memref_slice %arg3[%add3A_7] : memref<2129920xi32, #tpu.memory_space<hbm>> -> memref<8320xi32, #tpu.memory_space<hbm>>
    %dma_start3A_9 = tpu.memref_slice %arg3[%add3A_7] : memref<2129920xi32, #tpu.memory_space<hbm>> -> memref<8320xi32, #tpu.memory_space<hbm>>
    tpu.enqueue_dma source(%dma_start3A_9 : memref<8320xi32, #tpu.memory_space<hbm>>) target(%arg7 : memref<8320xi32, #tpu.memory_space<vmem>>) target_semaphore(%arg10 : memref<!tpu.dma_semaphore, #tpu.memory_space<semaphore_mem>>)
    %scan3A = arith.constant 0 : i32
    %scan3A_10 = arith.constant 520 : i32
    %scan3A_11 = arith.addi %scan3A, %scan3A_10 : i32
    %scan3A_12 = arith.constant 4 : i32
    %scan3A_13 = scf.for %scan3A_96 = %scan3A to %scan3A_11 step %scan3A_12 iter_args(%scan3A_97 = %broadcast_in_dim3A_5) -> (vector<16xf32>)  : i32 {
      %mul3A_98 = arith.constant 16 : i32
      %mul3A_99 = arith.muli %scan3A_96, %mul3A_98 : i32
      %get3A = arith.index_cast %mul3A_99 : i32 to index
      %get3A_100 = tpu.vector_load %arg6[%get3A] {strides = array<i32>} : memref<8320xi32, #tpu.memory_space<vmem>>, vector<16xi32>,
      %gather3A = tpu.vector_load_idx %arg5[%get3A_100] : memref<100000xf32, #tpu.memory_space<vmem>>[vector<16xi32>], vector<16xf32>,
      %add3A_101 = arith.addf %scan3A_97, %gather3A : vector<16xf32>
      %scan3A_102 = arith.constant 1 : i32
      %scan3A_103 = arith.addi %scan3A_96, %scan3A_102 : i32
      %mul3A_104 = arith.constant 16 : i32
      %mul3A_105 = arith.muli %scan3A_103, %mul3A_104 : i32
      %get3A_106 = arith.index_cast %mul3A_105 : i32 to index
      %get3A_107 = tpu.vector_load %arg6[%get3A_106] {strides = array<i32>} : memref<8320xi32, #tpu.memory_space<vmem>>, vector<16xi32>,
      %gather3A_108 = tpu.vector_load_idx %arg5[%get3A_107] : memref<100000xf32, #tpu.memory_space<vmem>>[vector<16xi32>], vector<16xf32>,
      %add3A_109 = arith.addf %add3A_101, %gather3A_108 : vector<16xf32>
      %scan3A_110 = arith.constant 2 : i32
      %scan3A_111 = arith.addi %scan3A_96, %scan3A_110 : i32
      %mul3A_112 = arith.constant 16 : i32
      %mul3A_113 = arith.muli %scan3A_111, %mul3A_112 : i32
      %get3A_114 = arith.index_cast %mul3A_113 : i32 to index
      %get3A_115 = tpu.vector_load %arg6[%get3A_114] {strides = array<i32>} : memref<8320xi32, #tpu.memory_space<vmem>>, vector<16xi32>,
      %gather3A_116 = tpu.vector_load_idx %arg5[%get3A_115] : memref<100000xf32, #tpu.memory_space<vmem>>[vector<16xi32>], vector<16xf32>,
      %add3A_117 = arith.addf %add3A_109, %gather3A_116 : vector<16xf32>
      %scan3A_118 = arith.constant 3 : i32
      %scan3A_119 = arith.addi %scan3A_96, %scan3A_118 : i32
      %mul3A_120 = arith.constant 16 : i32
      %mul3A_121 = arith.muli %scan3A_119, %mul3A_120 : i32
      %get3A_122 = arith.index_cast %mul3A_121 : i32 to index
      %get3A_123 = tpu.vector_load %arg6[%get3A_122] {strides = array<i32>} : memref<8320xi32, #tpu.memory_space<vmem>>, vector<16xi32>,
      %gather3A_124 = tpu.vector_load_idx %arg5[%get3A_123] : memref<100000xf32, #tpu.memory_space<vmem>>[vector<16xi32>], vector<16xf32>,
      %add3A_125 = arith.addf %add3A_117, %gather3A_124 : vector<16xf32>
      scf.yield %add3A_125 : vector<16xf32>
    }
    %scan3A_14 = arith.constant 520 : i32
    %dma_wait3A_15 = tpu.memref_slice %arg3[%add3A_7] : memref<2129920xi32, #tpu.memory_space<hbm>> -> memref<8320xi32, #tpu.memory_space<hbm>>
    %dma_wait3A_16 = tpu.memref_slice %arg3[%add3A_7] : memref<2129920xi32, #tpu.memory_space<hbm>> -> memref<8320xi32, #tpu.memory_space<hbm>>
    tpu.wait_dma2 semaphore(%arg10 : memref<!tpu.dma_semaphore, #tpu.memory_space<semaphore_mem>>) src(%dma_wait3A_16 : memref<8320xi32, #tpu.memory_space<hbm>>) dst(%arg7 : memref<8320xi32, #tpu.memory_space<vmem>>)
    %add3A_17 = arith.constant 16640 : i32
    %add3A_18 = arith.addi %mul3A_2, %add3A_17 : i32
    %dma_start3A_19 = tpu.memref_slice %arg3[%add3A_18] : memref<2129920xi32, #tpu.memory_space<hbm>> -> memref<8320xi32, #tpu.memory_space<hbm>>
    %dma_start3A_20 = tpu.memref_slice %arg3[%add3A_18] : memref<2129920xi32, #tpu.memory_space<hbm>> -> memref<8320xi32, #tpu.memory_space<hbm>>
    tpu.enqueue_dma source(%dma_start3A_20 : memref<8320xi32, #tpu.memory_space<hbm>>) target(%arg6 : memref<8320xi32, #tpu.memory_space<vmem>>) target_semaphore(%arg9 : memref<!tpu.dma_semaphore, #tpu.memory_space<semaphore_mem>>)
    %scan3A_21 = arith.constant 0 : i32
    %scan3A_22 = arith.constant 520 : i32
    %scan3A_23 = arith.addi %scan3A_21, %scan3A_22 : i32
    %scan3A_24 = arith.constant 4 : i32
    %scan3A_25 = scf.for %scan3A_96 = %scan3A_21 to %scan3A_23 step %scan3A_24 iter_args(%scan3A_97 = %scan3A_13) -> (vector<16xf32>)  : i32 {
      %mul3A_98 = arith.constant 16 : i32
      %mul3A_99 = arith.muli %scan3A_96, %mul3A_98 : i32
      %get3A = arith.index_cast %mul3A_99 : i32 to index
      %get3A_100 = tpu.vector_load %arg7[%get3A] {strides = array<i32>} : memref<8320xi32, #tpu.memory_space<vmem>>, vector<16xi32>,
      %gather3A = tpu.vector_load_idx %arg5[%get3A_100] : memref<100000xf32, #tpu.memory_space<vmem>>[vector<16xi32>], vector<16xf32>,
      %add3A_101 = arith.addf %scan3A_97, %gather3A : vector<16xf32>
      %scan3A_102 = arith.constant 1 : i32
      %scan3A_103 = arith.addi %scan3A_96, %scan3A_102 : i32
      %mul3A_104 = arith.constant 16 : i32
      %mul3A_105 = arith.muli %scan3A_103, %mul3A_104 : i32
      %get3A_106 = arith.index_cast %mul3A_105 : i32 to index
      %get3A_107 = tpu.vector_load %arg7[%get3A_106] {strides = array<i32>} : memref<8320xi32, #tpu.memory_space<vmem>>, vector<16xi32>,
      %gather3A_108 = tpu.vector_load_idx %arg5[%get3A_107] : memref<100000xf32, #tpu.memory_space<vmem>>[vector<16xi32>], vector<16xf32>,
      %add3A_109 = arith.addf %add3A_101, %gather3A_108 : vector<16xf32>
      %scan3A_110 = arith.constant 2 : i32
      %scan3A_111 = arith.addi %scan3A_96, %scan3A_110 : i32
      %mul3A_112 = arith.constant 16 : i32
      %mul3A_113 = arith.muli %scan3A_111, %mul3A_112 : i32
      %get3A_114 = arith.index_cast %mul3A_113 : i32 to index
      %get3A_115 = tpu.vector_load %arg7[%get3A_114] {strides = array<i32>} : memref<8320xi32, #tpu.memory_space<vmem>>, vector<16xi32>,
      %gather3A_116 = tpu.vector_load_idx %arg5[%get3A_115] : memref<100000xf32, #tpu.memory_space<vmem>>[vector<16xi32>], vector<16xf32>,
      %add3A_117 = arith.addf %add3A_109, %gather3A_116 : vector<16xf32>
      %scan3A_118 = arith.constant 3 : i32
      %scan3A_119 = arith.addi %scan3A_96, %scan3A_118 : i32
      %mul3A_120 = arith.constant 16 : i32
      %mul3A_121 = arith.muli %scan3A_119, %mul3A_120 : i32
      %get3A_122 = arith.index_cast %mul3A_121 : i32 to index
      %get3A_123 = tpu.vector_load %arg7[%get3A_122] {strides = array<i32>} : memref<8320xi32, #tpu.memory_space<vmem>>, vector<16xi32>,
      %gather3A_124 = tpu.vector_load_idx %arg5[%get3A_123] : memref<100000xf32, #tpu.memory_space<vmem>>[vector<16xi32>], vector<16xf32>,
      %add3A_125 = arith.addf %add3A_117, %gather3A_124 : vector<16xf32>
      scf.yield %add3A_125 : vector<16xf32>
    }
    %scan3A_26 = arith.constant 520 : i32
    %dma_wait3A_27 = tpu.memref_slice %arg3[%add3A_18] : memref<2129920xi32, #tpu.memory_space<hbm>> -> memref<8320xi32, #tpu.memory_space<hbm>>
    %dma_wait3A_28 = tpu.memref_slice %arg3[%add3A_18] : memref<2129920xi32, #tpu.memory_space<hbm>> -> memref<8320xi32, #tpu.memory_space<hbm>>
    tpu.wait_dma2 semaphore(%arg9 : memref<!tpu.dma_semaphore, #tpu.memory_space<semaphore_mem>>) src(%dma_wait3A_28 : memref<8320xi32, #tpu.memory_space<hbm>>) dst(%arg6 : memref<8320xi32, #tpu.memory_space<vmem>>)
    %add3A_29 = arith.constant 24960 : i32
    %add3A_30 = arith.addi %mul3A_2, %add3A_29 : i32
    %dma_start3A_31 = tpu.memref_slice %arg3[%add3A_30] : memref<2129920xi32, #tpu.memory_space<hbm>> -> memref<8320xi32, #tpu.memory_space<hbm>>
    %dma_start3A_32 = tpu.memref_slice %arg3[%add3A_30] : memref<2129920xi32, #tpu.memory_space<hbm>> -> memref<8320xi32, #tpu.memory_space<hbm>>
    tpu.enqueue_dma source(%dma_start3A_32 : memref<8320xi32, #tpu.memory_space<hbm>>) target(%arg7 : memref<8320xi32, #tpu.memory_space<vmem>>) target_semaphore(%arg10 : memref<!tpu.dma_semaphore, #tpu.memory_space<semaphore_mem>>)
    %scan3A_33 = arith.constant 0 : i32
    %scan3A_34 = arith.constant 520 : i32
    %scan3A_35 = arith.addi %scan3A_33, %scan3A_34 : i32
    %scan3A_36 = arith.constant 4 : i32
    %scan3A_37 = scf.for %scan3A_96 = %scan3A_33 to %scan3A_35 step %scan3A_36 iter_args(%scan3A_97 = %scan3A_25) -> (vector<16xf32>)  : i32 {
      %mul3A_98 = arith.constant 16 : i32
      %mul3A_99 = arith.muli %scan3A_96, %mul3A_98 : i32
      %get3A = arith.index_cast %mul3A_99 : i32 to index
      %get3A_100 = tpu.vector_load %arg6[%get3A] {strides = array<i32>} : memref<8320xi32, #tpu.memory_space<vmem>>, vector<16xi32>,
      %gather3A = tpu.vector_load_idx %arg5[%get3A_100] : memref<100000xf32, #tpu.memory_space<vmem>>[vector<16xi32>], vector<16xf32>,
      %add3A_101 = arith.addf %scan3A_97, %gather3A : vector<16xf32>
      %scan3A_102 = arith.constant 1 : i32
      %scan3A_103 = arith.addi %scan3A_96, %scan3A_102 : i32
      %mul3A_104 = arith.constant 16 : i32
      %mul3A_105 = arith.muli %scan3A_103, %mul3A_104 : i32
      %get3A_106 = arith.index_cast %mul3A_105 : i32 to index
      %get3A_107 = tpu.vector_load %arg6[%get3A_106] {strides = array<i32>} : memref<8320xi32, #tpu.memory_space<vmem>>, vector<16xi32>,
      %gather3A_108 = tpu.vector_load_idx %arg5[%get3A_107] : memref<100000xf32, #tpu.memory_space<vmem>>[vector<16xi32>], vector<16xf32>,
      %add3A_109 = arith.addf %add3A_101, %gather3A_108 : vector<16xf32>
      %scan3A_110 = arith.constant 2 : i32
      %scan3A_111 = arith.addi %scan3A_96, %scan3A_110 : i32
      %mul3A_112 = arith.constant 16 : i32
      %mul3A_113 = arith.muli %scan3A_111, %mul3A_112 : i32
      %get3A_114 = arith.index_cast %mul3A_113 : i32 to index
      %get3A_115 = tpu.vector_load %arg6[%get3A_114] {strides = array<i32>} : memref<8320xi32, #tpu.memory_space<vmem>>, vector<16xi32>,
      %gather3A_116 = tpu.vector_load_idx %arg5[%get3A_115] : memref<100000xf32, #tpu.memory_space<vmem>>[vector<16xi32>], vector<16xf32>,
      %add3A_117 = arith.addf %add3A_109, %gather3A_116 : vector<16xf32>
      %scan3A_118 = arith.constant 3 : i32
      %scan3A_119 = arith.addi %scan3A_96, %scan3A_118 : i32
      %mul3A_120 = arith.constant 16 : i32
      %mul3A_121 = arith.muli %scan3A_119, %mul3A_120 : i32
      %get3A_122 = arith.index_cast %mul3A_121 : i32 to index
      %get3A_123 = tpu.vector_load %arg6[%get3A_122] {strides = array<i32>} : memref<8320xi32, #tpu.memory_space<vmem>>, vector<16xi32>,
      %gather3A_124 = tpu.vector_load_idx %arg5[%get3A_123] : memref<100000xf32, #tpu.memory_space<vmem>>[vector<16xi32>], vector<16xf32>,
      %add3A_125 = arith.addf %add3A_117, %gather3A_124 : vector<16xf32>
      scf.yield %add3A_125 : vector<16xf32>
    }
    %scan3A_38 = arith.constant 520 : i32
    %dma_wait3A_39 = tpu.memref_slice %arg3[%add3A_30] : memref<2129920xi32, #tpu.memory_space<hbm>> -> memref<8320xi32, #tpu.memory_space<hbm>>
    %dma_wait3A_40 = tpu.memref_slice %arg3[%add3A_30] : memref<2129920xi32, #tpu.memory_space<hbm>> -> memref<8320xi32, #tpu.memory_space<hbm>>
    tpu.wait_dma2 semaphore(%arg10 : memref<!tpu.dma_semaphore, #tpu.memory_space<semaphore_mem>>) src(%dma_wait3A_40 : memref<8320xi32, #tpu.memory_space<hbm>>) dst(%arg7 : memref<8320xi32, #tpu.memory_space<vmem>>)
    %add3A_41 = arith.constant 33280 : i32
    %add3A_42 = arith.addi %mul3A_2, %add3A_41 : i32
    %dma_start3A_43 = tpu.memref_slice %arg3[%add3A_42] : memref<2129920xi32, #tpu.memory_space<hbm>> -> memref<8320xi32, #tpu.memory_space<hbm>>
    %dma_start3A_44 = tpu.memref_slice %arg3[%add3A_42] : memref<2129920xi32, #tpu.memory_space<hbm>> -> memref<8320xi32, #tpu.memory_space<hbm>>
    tpu.enqueue_dma source(%dma_start3A_44 : memref<8320xi32, #tpu.memory_space<hbm>>) target(%arg6 : memref<8320xi32, #tpu.memory_space<vmem>>) target_semaphore(%arg9 : memref<!tpu.dma_semaphore, #tpu.memory_space<semaphore_mem>>)
    %scan3A_45 = arith.constant 0 : i32
    %scan3A_46 = arith.constant 520 : i32
    %scan3A_47 = arith.addi %scan3A_45, %scan3A_46 : i32
    %scan3A_48 = arith.constant 4 : i32
    %scan3A_49 = scf.for %scan3A_96 = %scan3A_45 to %scan3A_47 step %scan3A_48 iter_args(%scan3A_97 = %scan3A_37) -> (vector<16xf32>)  : i32 {
      %mul3A_98 = arith.constant 16 : i32
      %mul3A_99 = arith.muli %scan3A_96, %mul3A_98 : i32
      %get3A = arith.index_cast %mul3A_99 : i32 to index
      %get3A_100 = tpu.vector_load %arg7[%get3A] {strides = array<i32>} : memref<8320xi32, #tpu.memory_space<vmem>>, vector<16xi32>,
      %gather3A = tpu.vector_load_idx %arg5[%get3A_100] : memref<100000xf32, #tpu.memory_space<vmem>>[vector<16xi32>], vector<16xf32>,
      %add3A_101 = arith.addf %scan3A_97, %gather3A : vector<16xf32>
      %scan3A_102 = arith.constant 1 : i32
      %scan3A_103 = arith.addi %scan3A_96, %scan3A_102 : i32
      %mul3A_104 = arith.constant 16 : i32
      %mul3A_105 = arith.muli %scan3A_103, %mul3A_104 : i32
      %get3A_106 = arith.index_cast %mul3A_105 : i32 to index
      %get3A_107 = tpu.vector_load %arg7[%get3A_106] {strides = array<i32>} : memref<8320xi32, #tpu.memory_space<vmem>>, vector<16xi32>,
      %gather3A_108 = tpu.vector_load_idx %arg5[%get3A_107] : memref<100000xf32, #tpu.memory_space<vmem>>[vector<16xi32>], vector<16xf32>,
      %add3A_109 = arith.addf %add3A_101, %gather3A_108 : vector<16xf32>
      %scan3A_110 = arith.constant 2 : i32
      %scan3A_111 = arith.addi %scan3A_96, %scan3A_110 : i32
      %mul3A_112 = arith.constant 16 : i32
      %mul3A_113 = arith.muli %scan3A_111, %mul3A_112 : i32
      %get3A_114 = arith.index_cast %mul3A_113 : i32 to index
      %get3A_115 = tpu.vector_load %arg7[%get3A_114] {strides = array<i32>} : memref<8320xi32, #tpu.memory_space<vmem>>, vector<16xi32>,
      %gather3A_116 = tpu.vector_load_idx %arg5[%get3A_115] : memref<100000xf32, #tpu.memory_space<vmem>>[vector<16xi32>], vector<16xf32>,
      %add3A_117 = arith.addf %add3A_109, %gather3A_116 : vector<16xf32>
      %scan3A_118 = arith.constant 3 : i32
      %scan3A_119 = arith.addi %scan3A_96, %scan3A_118 : i32
      %mul3A_120 = arith.constant 16 : i32
      %mul3A_121 = arith.muli %scan3A_119, %mul3A_120 : i32
      %get3A_122 = arith.index_cast %mul3A_121 : i32 to index
      %get3A_123 = tpu.vector_load %arg7[%get3A_122] {strides = array<i32>} : memref<8320xi32, #tpu.memory_space<vmem>>, vector<16xi32>,
      %gather3A_124 = tpu.vector_load_idx %arg5[%get3A_123] : memref<100000xf32, #tpu.memory_space<vmem>>[vector<16xi32>], vector<16xf32>,
      %add3A_125 = arith.addf %add3A_117, %gather3A_124 : vector<16xf32>
      scf.yield %add3A_125 : vector<16xf32>
    }
    %scan3A_50 = arith.constant 520 : i32
    %dma_wait3A_51 = tpu.memref_slice %arg3[%add3A_42] : memref<2129920xi32, #tpu.memory_space<hbm>> -> memref<8320xi32, #tpu.memory_space<hbm>>
    %dma_wait3A_52 = tpu.memref_slice %arg3[%add3A_42] : memref<2129920xi32, #tpu.memory_space<hbm>> -> memref<8320xi32, #tpu.memory_space<hbm>>
    tpu.wait_dma2 semaphore(%arg9 : memref<!tpu.dma_semaphore, #tpu.memory_space<semaphore_mem>>) src(%dma_wait3A_52 : memref<8320xi32, #tpu.memory_space<hbm>>) dst(%arg6 : memref<8320xi32, #tpu.memory_space<vmem>>)
    %add3A_53 = arith.constant 41600 : i32
    %add3A_54 = arith.addi %mul3A_2, %add3A_53 : i32
    %dma_start3A_55 = tpu.memref_slice %arg3[%add3A_54] : memref<2129920xi32, #tpu.memory_space<hbm>> -> memref<8320xi32, #tpu.memory_space<hbm>>
    %dma_start3A_56 = tpu.memref_slice %arg3[%add3A_54] : memref<2129920xi32, #tpu.memory_space<hbm>> -> memref<8320xi32, #tpu.memory_space<hbm>>
    tpu.enqueue_dma source(%dma_start3A_56 : memref<8320xi32, #tpu.memory_space<hbm>>) target(%arg7 : memref<8320xi32, #tpu.memory_space<vmem>>) target_semaphore(%arg10 : memref<!tpu.dma_semaphore, #tpu.memory_space<semaphore_mem>>)
    %scan3A_57 = arith.constant 0 : i32
    %scan3A_58 = arith.constant 520 : i32
    %scan3A_59 = arith.addi %scan3A_57, %scan3A_58 : i32
    %scan3A_60 = arith.constant 4 : i32
    %scan3A_61 = scf.for %scan3A_96 = %scan3A_57 to %scan3A_59 step %scan3A_60 iter_args(%scan3A_97 = %scan3A_49) -> (vector<16xf32>)  : i32 {
      %mul3A_98 = arith.constant 16 : i32
      %mul3A_99 = arith.muli %scan3A_96, %mul3A_98 : i32
      %get3A = arith.index_cast %mul3A_99 : i32 to index
      %get3A_100 = tpu.vector_load %arg6[%get3A] {strides = array<i32>} : memref<8320xi32, #tpu.memory_space<vmem>>, vector<16xi32>,
      %gather3A = tpu.vector_load_idx %arg5[%get3A_100] : memref<100000xf32, #tpu.memory_space<vmem>>[vector<16xi32>], vector<16xf32>,
      %add3A_101 = arith.addf %scan3A_97, %gather3A : vector<16xf32>
      %scan3A_102 = arith.constant 1 : i32
      %scan3A_103 = arith.addi %scan3A_96, %scan3A_102 : i32
      %mul3A_104 = arith.constant 16 : i32
      %mul3A_105 = arith.muli %scan3A_103, %mul3A_104 : i32
      %get3A_106 = arith.index_cast %mul3A_105 : i32 to index
      %get3A_107 = tpu.vector_load %arg6[%get3A_106] {strides = array<i32>} : memref<8320xi32, #tpu.memory_space<vmem>>, vector<16xi32>,
      %gather3A_108 = tpu.vector_load_idx %arg5[%get3A_107] : memref<100000xf32, #tpu.memory_space<vmem>>[vector<16xi32>], vector<16xf32>,
      %add3A_109 = arith.addf %add3A_101, %gather3A_108 : vector<16xf32>
      %scan3A_110 = arith.constant 2 : i32
      %scan3A_111 = arith.addi %scan3A_96, %scan3A_110 : i32
      %mul3A_112 = arith.constant 16 : i32
      %mul3A_113 = arith.muli %scan3A_111, %mul3A_112 : i32
      %get3A_114 = arith.index_cast %mul3A_113 : i32 to index
      %get3A_115 = tpu.vector_load %arg6[%get3A_114] {strides = array<i32>} : memref<8320xi32, #tpu.memory_space<vmem>>, vector<16xi32>,
      %gather3A_116 = tpu.vector_load_idx %arg5[%get3A_115] : memref<100000xf32, #tpu.memory_space<vmem>>[vector<16xi32>], vector<16xf32>,
      %add3A_117 = arith.addf %add3A_109, %gather3A_116 : vector<16xf32>
      %scan3A_118 = arith.constant 3 : i32
      %scan3A_119 = arith.addi %scan3A_96, %scan3A_118 : i32
      %mul3A_120 = arith.constant 16 : i32
      %mul3A_121 = arith.muli %scan3A_119, %mul3A_120 : i32
      %get3A_122 = arith.index_cast %mul3A_121 : i32 to index
      %get3A_123 = tpu.vector_load %arg6[%get3A_122] {strides = array<i32>} : memref<8320xi32, #tpu.memory_space<vmem>>, vector<16xi32>,
      %gather3A_124 = tpu.vector_load_idx %arg5[%get3A_123] : memref<100000xf32, #tpu.memory_space<vmem>>[vector<16xi32>], vector<16xf32>,
      %add3A_125 = arith.addf %add3A_117, %gather3A_124 : vector<16xf32>
      scf.yield %add3A_125 : vector<16xf32>
    }
    %scan3A_62 = arith.constant 520 : i32
    %dma_wait3A_63 = tpu.memref_slice %arg3[%add3A_54] : memref<2129920xi32, #tpu.memory_space<hbm>> -> memref<8320xi32, #tpu.memory_space<hbm>>
    %dma_wait3A_64 = tpu.memref_slice %arg3[%add3A_54] : memref<2129920xi32, #tpu.memory_space<hbm>> -> memref<8320xi32, #tpu.memory_space<hbm>>
    tpu.wait_dma2 semaphore(%arg10 : memref<!tpu.dma_semaphore, #tpu.memory_space<semaphore_mem>>) src(%dma_wait3A_64 : memref<8320xi32, #tpu.memory_space<hbm>>) dst(%arg7 : memref<8320xi32, #tpu.memory_space<vmem>>)
    %add3A_65 = arith.constant 49920 : i32
    %add3A_66 = arith.addi %mul3A_2, %add3A_65 : i32
    %dma_start3A_67 = tpu.memref_slice %arg3[%add3A_66] : memref<2129920xi32, #tpu.memory_space<hbm>> -> memref<8320xi32, #tpu.memory_space<hbm>>
    %dma_start3A_68 = tpu.memref_slice %arg3[%add3A_66] : memref<2129920xi32, #tpu.memory_space<hbm>> -> memref<8320xi32, #tpu.memory_space<hbm>>
    tpu.enqueue_dma source(%dma_start3A_68 : memref<8320xi32, #tpu.memory_space<hbm>>) target(%arg6 : memref<8320xi32, #tpu.memory_space<vmem>>) target_semaphore(%arg9 : memref<!tpu.dma_semaphore, #tpu.memory_space<semaphore_mem>>)
    %scan3A_69 = arith.constant 0 : i32
    %scan3A_70 = arith.constant 520 : i32
    %scan3A_71 = arith.addi %scan3A_69, %scan3A_70 : i32
    %scan3A_72 = arith.constant 4 : i32
    %scan3A_73 = scf.for %scan3A_96 = %scan3A_69 to %scan3A_71 step %scan3A_72 iter_args(%scan3A_97 = %scan3A_61) -> (vector<16xf32>)  : i32 {
      %mul3A_98 = arith.constant 16 : i32
      %mul3A_99 = arith.muli %scan3A_96, %mul3A_98 : i32
      %get3A = arith.index_cast %mul3A_99 : i32 to index
      %get3A_100 = tpu.vector_load %arg7[%get3A] {strides = array<i32>} : memref<8320xi32, #tpu.memory_space<vmem>>, vector<16xi32>,
      %gather3A = tpu.vector_load_idx %arg5[%get3A_100] : memref<100000xf32, #tpu.memory_space<vmem>>[vector<16xi32>], vector<16xf32>,
      %add3A_101 = arith.addf %scan3A_97, %gather3A : vector<16xf32>
      %scan3A_102 = arith.constant 1 : i32
      %scan3A_103 = arith.addi %scan3A_96, %scan3A_102 : i32
      %mul3A_104 = arith.constant 16 : i32
      %mul3A_105 = arith.muli %scan3A_103, %mul3A_104 : i32
      %get3A_106 = arith.index_cast %mul3A_105 : i32 to index
      %get3A_107 = tpu.vector_load %arg7[%get3A_106] {strides = array<i32>} : memref<8320xi32, #tpu.memory_space<vmem>>, vector<16xi32>,
      %gather3A_108 = tpu.vector_load_idx %arg5[%get3A_107] : memref<100000xf32, #tpu.memory_space<vmem>>[vector<16xi32>], vector<16xf32>,
      %add3A_109 = arith.addf %add3A_101, %gather3A_108 : vector<16xf32>
      %scan3A_110 = arith.constant 2 : i32
      %scan3A_111 = arith.addi %scan3A_96, %scan3A_110 : i32
      %mul3A_112 = arith.constant 16 : i32
      %mul3A_113 = arith.muli %scan3A_111, %mul3A_112 : i32
      %get3A_114 = arith.index_cast %mul3A_113 : i32 to index
      %get3A_115 = tpu.vector_load %arg7[%get3A_114] {strides = array<i32>} : memref<8320xi32, #tpu.memory_space<vmem>>, vector<16xi32>,
      %gather3A_116 = tpu.vector_load_idx %arg5[%get3A_115] : memref<100000xf32, #tpu.memory_space<vmem>>[vector<16xi32>], vector<16xf32>,
      %add3A_117 = arith.addf %add3A_109, %gather3A_116 : vector<16xf32>
      %scan3A_118 = arith.constant 3 : i32
      %scan3A_119 = arith.addi %scan3A_96, %scan3A_118 : i32
      %mul3A_120 = arith.constant 16 : i32
      %mul3A_121 = arith.muli %scan3A_119, %mul3A_120 : i32
      %get3A_122 = arith.index_cast %mul3A_121 : i32 to index
      %get3A_123 = tpu.vector_load %arg7[%get3A_122] {strides = array<i32>} : memref<8320xi32, #tpu.memory_space<vmem>>, vector<16xi32>,
      %gather3A_124 = tpu.vector_load_idx %arg5[%get3A_123] : memref<100000xf32, #tpu.memory_space<vmem>>[vector<16xi32>], vector<16xf32>,
      %add3A_125 = arith.addf %add3A_117, %gather3A_124 : vector<16xf32>
      scf.yield %add3A_125 : vector<16xf32>
    }
    %scan3A_74 = arith.constant 520 : i32
    %dma_wait3A_75 = tpu.memref_slice %arg3[%add3A_66] : memref<2129920xi32, #tpu.memory_space<hbm>> -> memref<8320xi32, #tpu.memory_space<hbm>>
    %dma_wait3A_76 = tpu.memref_slice %arg3[%add3A_66] : memref<2129920xi32, #tpu.memory_space<hbm>> -> memref<8320xi32, #tpu.memory_space<hbm>>
    tpu.wait_dma2 semaphore(%arg9 : memref<!tpu.dma_semaphore, #tpu.memory_space<semaphore_mem>>) src(%dma_wait3A_76 : memref<8320xi32, #tpu.memory_space<hbm>>) dst(%arg6 : memref<8320xi32, #tpu.memory_space<vmem>>)
    %add3A_77 = arith.constant 58240 : i32
    %add3A_78 = arith.addi %mul3A_2, %add3A_77 : i32
    %dma_start3A_79 = tpu.memref_slice %arg3[%add3A_78] : memref<2129920xi32, #tpu.memory_space<hbm>> -> memref<8320xi32, #tpu.memory_space<hbm>>
    %dma_start3A_80 = tpu.memref_slice %arg3[%add3A_78] : memref<2129920xi32, #tpu.memory_space<hbm>> -> memref<8320xi32, #tpu.memory_space<hbm>>
    tpu.enqueue_dma source(%dma_start3A_80 : memref<8320xi32, #tpu.memory_space<hbm>>) target(%arg7 : memref<8320xi32, #tpu.memory_space<vmem>>) target_semaphore(%arg10 : memref<!tpu.dma_semaphore, #tpu.memory_space<semaphore_mem>>)
    %scan3A_81 = arith.constant 0 : i32
    %scan3A_82 = arith.constant 520 : i32
    %scan3A_83 = arith.addi %scan3A_81, %scan3A_82 : i32
    %scan3A_84 = arith.constant 4 : i32
    %scan3A_85 = scf.for %scan3A_96 = %scan3A_81 to %scan3A_83 step %scan3A_84 iter_args(%scan3A_97 = %scan3A_73) -> (vector<16xf32>)  : i32 {
      %mul3A_98 = arith.constant 16 : i32
      %mul3A_99 = arith.muli %scan3A_96, %mul3A_98 : i32
      %get3A = arith.index_cast %mul3A_99 : i32 to index
      %get3A_100 = tpu.vector_load %arg6[%get3A] {strides = array<i32>} : memref<8320xi32, #tpu.memory_space<vmem>>, vector<16xi32>,
      %gather3A = tpu.vector_load_idx %arg5[%get3A_100] : memref<100000xf32, #tpu.memory_space<vmem>>[vector<16xi32>], vector<16xf32>,
      %add3A_101 = arith.addf %scan3A_97, %gather3A : vector<16xf32>
      %scan3A_102 = arith.constant 1 : i32
      %scan3A_103 = arith.addi %scan3A_96, %scan3A_102 : i32
      %mul3A_104 = arith.constant 16 : i32
      %mul3A_105 = arith.muli %scan3A_103, %mul3A_104 : i32
      %get3A_106 = arith.index_cast %mul3A_105 : i32 to index
      %get3A_107 = tpu.vector_load %arg6[%get3A_106] {strides = array<i32>} : memref<8320xi32, #tpu.memory_space<vmem>>, vector<16xi32>,
      %gather3A_108 = tpu.vector_load_idx %arg5[%get3A_107] : memref<100000xf32, #tpu.memory_space<vmem>>[vector<16xi32>], vector<16xf32>,
      %add3A_109 = arith.addf %add3A_101, %gather3A_108 : vector<16xf32>
      %scan3A_110 = arith.constant 2 : i32
      %scan3A_111 = arith.addi %scan3A_96, %scan3A_110 : i32
      %mul3A_112 = arith.constant 16 : i32
      %mul3A_113 = arith.muli %scan3A_111, %mul3A_112 : i32
      %get3A_114 = arith.index_cast %mul3A_113 : i32 to index
      %get3A_115 = tpu.vector_load %arg6[%get3A_114] {strides = array<i32>} : memref<8320xi32, #tpu.memory_space<vmem>>, vector<16xi32>,
      %gather3A_116 = tpu.vector_load_idx %arg5[%get3A_115] : memref<100000xf32, #tpu.memory_space<vmem>>[vector<16xi32>], vector<16xf32>,
      %add3A_117 = arith.addf %add3A_109, %gather3A_116 : vector<16xf32>
      %scan3A_118 = arith.constant 3 : i32
      %scan3A_119 = arith.addi %scan3A_96, %scan3A_118 : i32
      %mul3A_120 = arith.constant 16 : i32
      %mul3A_121 = arith.muli %scan3A_119, %mul3A_120 : i32
      %get3A_122 = arith.index_cast %mul3A_121 : i32 to index
      %get3A_123 = tpu.vector_load %arg6[%get3A_122] {strides = array<i32>} : memref<8320xi32, #tpu.memory_space<vmem>>, vector<16xi32>,
      %gather3A_124 = tpu.vector_load_idx %arg5[%get3A_123] : memref<100000xf32, #tpu.memory_space<vmem>>[vector<16xi32>], vector<16xf32>,
      %add3A_125 = arith.addf %add3A_117, %gather3A_124 : vector<16xf32>
      scf.yield %add3A_125 : vector<16xf32>
    }
    %scan3A_86 = arith.constant 520 : i32
    %dma_wait3A_87 = tpu.memref_slice %arg3[%add3A_78] : memref<2129920xi32, #tpu.memory_space<hbm>> -> memref<8320xi32, #tpu.memory_space<hbm>>
    %dma_wait3A_88 = tpu.memref_slice %arg3[%add3A_78] : memref<2129920xi32, #tpu.memory_space<hbm>> -> memref<8320xi32, #tpu.memory_space<hbm>>
    tpu.wait_dma2 semaphore(%arg10 : memref<!tpu.dma_semaphore, #tpu.memory_space<semaphore_mem>>) src(%dma_wait3A_88 : memref<8320xi32, #tpu.memory_space<hbm>>) dst(%arg7 : memref<8320xi32, #tpu.memory_space<vmem>>)
    %scan3A_89 = arith.constant 0 : i32
    %scan3A_90 = arith.constant 520 : i32
    %scan3A_91 = arith.addi %scan3A_89, %scan3A_90 : i32
    %scan3A_92 = arith.constant 4 : i32
    %scan3A_93 = scf.for %scan3A_96 = %scan3A_89 to %scan3A_91 step %scan3A_92 iter_args(%scan3A_97 = %scan3A_85) -> (vector<16xf32>)  : i32 {
      %mul3A_98 = arith.constant 16 : i32
      %mul3A_99 = arith.muli %scan3A_96, %mul3A_98 : i32
      %get3A = arith.index_cast %mul3A_99 : i32 to index
      %get3A_100 = tpu.vector_load %arg7[%get3A] {strides = array<i32>} : memref<8320xi32, #tpu.memory_space<vmem>>, vector<16xi32>,
      %gather3A = tpu.vector_load_idx %arg5[%get3A_100] : memref<100000xf32, #tpu.memory_space<vmem>>[vector<16xi32>], vector<16xf32>,
      %add3A_101 = arith.addf %scan3A_97, %gather3A : vector<16xf32>
      %scan3A_102 = arith.constant 1 : i32
      %scan3A_103 = arith.addi %scan3A_96, %scan3A_102 : i32
      %mul3A_104 = arith.constant 16 : i32
      %mul3A_105 = arith.muli %scan3A_103, %mul3A_104 : i32
      %get3A_106 = arith.index_cast %mul3A_105 : i32 to index
      %get3A_107 = tpu.vector_load %arg7[%get3A_106] {strides = array<i32>} : memref<8320xi32, #tpu.memory_space<vmem>>, vector<16xi32>,
      %gather3A_108 = tpu.vector_load_idx %arg5[%get3A_107] : memref<100000xf32, #tpu.memory_space<vmem>>[vector<16xi32>], vector<16xf32>,
      %add3A_109 = arith.addf %add3A_101, %gather3A_108 : vector<16xf32>
      %scan3A_110 = arith.constant 2 : i32
      %scan3A_111 = arith.addi %scan3A_96, %scan3A_110 : i32
      %mul3A_112 = arith.constant 16 : i32
      %mul3A_113 = arith.muli %scan3A_111, %mul3A_112 : i32
      %get3A_114 = arith.index_cast %mul3A_113 : i32 to index
      %get3A_115 = tpu.vector_load %arg7[%get3A_114] {strides = array<i32>} : memref<8320xi32, #tpu.memory_space<vmem>>, vector<16xi32>,
      %gather3A_116 = tpu.vector_load_idx %arg5[%get3A_115] : memref<100000xf32, #tpu.memory_space<vmem>>[vector<16xi32>], vector<16xf32>,
      %add3A_117 = arith.addf %add3A_109, %gather3A_116 : vector<16xf32>
      %scan3A_118 = arith.constant 3 : i32
      %scan3A_119 = arith.addi %scan3A_96, %scan3A_118 : i32
      %mul3A_120 = arith.constant 16 : i32
      %mul3A_121 = arith.muli %scan3A_119, %mul3A_120 : i32
      %get3A_122 = arith.index_cast %mul3A_121 : i32 to index
      %get3A_123 = tpu.vector_load %arg7[%get3A_122] {strides = array<i32>} : memref<8320xi32, #tpu.memory_space<vmem>>, vector<16xi32>,
      %gather3A_124 = tpu.vector_load_idx %arg5[%get3A_123] : memref<100000xf32, #tpu.memory_space<vmem>>[vector<16xi32>], vector<16xf32>,
      %add3A_125 = arith.addf %add3A_117, %gather3A_124 : vector<16xf32>
      scf.yield %add3A_125 : vector<16xf32>
    }
    %scan3A_94 = arith.constant 520 : i32
    %swap3A = arith.constant 0 : index
    %swap3A_95 = tpu.vector_load %arg8[%swap3A] {strides = array<i32>} : memref<16xf32, #tpu.memory_space<vmem>>, vector<16xf32>,
    tpu.vector_store %arg8[%swap3A], %scan3A_93 {strides = array<i32>} : memref<16xf32, #tpu.memory_space<vmem>>, vector<16xf32>,
    "tpu.region"() ({
      %run_scoped3A = tpu.sem_alloc : memref<!tpu.dma_semaphore, #tpu.memory_space<semaphore_mem>>
      %dma_start3A_96 = arith.constant 0 : i32
      %dma_start3A_97 = tpu.memref_slice %arg4[%add3A, %dma_start3A_96] : memref<32x16xf32, #tpu.memory_space<hbm>> -> memref<1x16xf32, #tpu.memory_space<hbm>>
      %dma_start3A_98 = tpu.memref_squeeze %dma_start3A_97 : memref<1x16xf32, #tpu.memory_space<hbm>> -> memref<16xf32, #tpu.memory_space<hbm>>
      %dma_start3A_99 = arith.constant 0 : i32
      %dma_start3A_100 = tpu.memref_slice %arg4[%add3A, %dma_start3A_99] : memref<32x16xf32, #tpu.memory_space<hbm>> -> memref<1x16xf32, #tpu.memory_space<hbm>>
      %dma_start3A_101 = tpu.memref_squeeze %dma_start3A_100 : memref<1x16xf32, #tpu.memory_space<hbm>> -> memref<16xf32, #tpu.memory_space<hbm>>
      tpu.enqueue_dma source(%arg8 : memref<16xf32, #tpu.memory_space<vmem>>) target(%dma_start3A_101 : memref<16xf32, #tpu.memory_space<hbm>>) target_semaphore(%run_scoped3A : memref<!tpu.dma_semaphore, #tpu.memory_space<semaphore_mem>>)
      %dma_wait3A_102 = arith.constant 0 : i32
      %dma_wait3A_103 = tpu.memref_slice %arg4[%add3A, %dma_wait3A_102] : memref<32x16xf32, #tpu.memory_space<hbm>> -> memref<1x16xf32, #tpu.memory_space<hbm>>
      %dma_wait3A_104 = tpu.memref_squeeze %dma_wait3A_103 : memref<1x16xf32, #tpu.memory_space<hbm>> -> memref<16xf32, #tpu.memory_space<hbm>>
      %dma_wait3A_105 = arith.constant 0 : i32
      %dma_wait3A_106 = tpu.memref_slice %arg4[%add3A, %dma_wait3A_105] : memref<32x16xf32, #tpu.memory_space<hbm>> -> memref<1x16xf32, #tpu.memory_space<hbm>>
      %dma_wait3A_107 = tpu.memref_squeeze %dma_wait3A_106 : memref<1x16xf32, #tpu.memory_space<hbm>> -> memref<16xf32, #tpu.memory_space<hbm>>
      tpu.wait_dma2 semaphore(%run_scoped3A : memref<!tpu.dma_semaphore, #tpu.memory_space<semaphore_mem>>) src(%arg8 : memref<16xf32, #tpu.memory_space<vmem>>) dst(%dma_wait3A_107 : memref<16xf32, #tpu.memory_space<hbm>>)
      tpu.yield
    }) : () -> ()
    return
  }
}

module attributes {stable_mosaic.version = 14 : i64} {
  func.func @_row_scores_body(%arg0: i32, %arg1: memref<10000x64xf32, #tpu.memory_space<vmem>>, %arg2: memref<1x64xf32, #tpu.memory_space<vmem>>, %arg3: memref<10000x1xf32, #tpu.memory_space<vmem>>) attributes {dimension_semantics = [#tpu.dimension_semantics<arbitrary>], iteration_bounds = array<i64: 10>, scalar_prefetch = 0 : i64, scratch_operands = 0 : i64, tpu.core_type = #tpu.core_type<tc>, window_params = [{transform_indices = @transform_0, window_bounds = array<i64: 10000, 64>}, {pipeline_mode = #tpu.pipeline_mode<synchronous>, transform_indices = @transform_1, window_bounds = array<i64: 1, 64>}, {transform_indices = @transform_2, window_bounds = array<i64: 10000, 1>}]} {
    %get3A = arith.constant 0 : index
    %get3A_0 = arith.constant 0 : index
    %get3A_1 = vector.load %arg1[%get3A, %get3A_0] : memref<10000x64xf32, #tpu.memory_space<vmem>>, vector<10000x64xf32>
    %get3A_2 = arith.constant 0 : index
    %get3A_3 = arith.constant 0 : index
    %get3A_4 = vector.load %arg2[%get3A_2, %get3A_3] : memref<1x64xf32, #tpu.memory_space<vmem>>, vector<1x64xf32>
    %mul3A = vector.broadcast %get3A_4 : vector<1x64xf32> to vector<10000x64xf32>
    %mul3A_5 = arith.mulf %get3A_1, %mul3A : vector<10000x64xf32>
    %reduce_sum3A = arith.constant dense<0.000000e+00> : vector<10000xf32>
    %reduce_sum3A_6 = vector.multi_reduction <add>, %mul3A_5, %reduce_sum3A [1] : vector<10000x64xf32> to vector<10000xf32>
    %broadcast_in_dim3A = vector.shape_cast %reduce_sum3A_6 : vector<10000xf32> to vector<10000x1xf32>
    %swap3A = arith.constant 0 : index
    %swap3A_7 = arith.constant 0 : index
    %swap3A_8 = vector.load %arg3[%swap3A, %swap3A_7] : memref<10000x1xf32, #tpu.memory_space<vmem>>, vector<10000x1xf32>
    tpu.vector_store %arg3[%swap3A, %swap3A_7], %broadcast_in_dim3A {strides = array<i32>} : memref<10000x1xf32, #tpu.memory_space<vmem>>, vector<10000x1xf32>,
    return
  }
  func.func @transform_0(%arg0: i32) -> (i32, i32) {
    %c0_i32 = arith.constant 0 : i32
    %c0_i32_0 = arith.constant 0 : i32
    return %arg0, %c0_i32 : i32, i32
  }
  func.func @transform_1(%arg0: i32) -> (i32, i32) {
    %c0_i32 = arith.constant 0 : i32
    %c0_i32_0 = arith.constant 0 : i32
    %c0_i32_1 = arith.constant 0 : i32
    return %c0_i32, %c0_i32_0 : i32, i32
  }
  func.func @transform_2(%arg0: i32) -> (i32, i32) {
    %c0_i32 = arith.constant 0 : i32
    %c0_i32_0 = arith.constant 0 : i32
    return %arg0, %c0_i32 : i32, i32
  }
}

</mosaic_0001>

<sc_bundles>
// kernel: kernel.4.cloned.1.call-start
scs
__scs_entry_jumppad:
0x0: {  	(pc) =	sbr.rel $0x88, $3  }
0x1: {  	(tag) =	ssettag $0x0;
	lr =	simm.s32 $0x1  }
0x2: {  	[smem:$0x3F9D] =	sst lr;
	_ =	strace $0xD0000000  }
0x3: {  	_ = 	snop  }
0x4: {  	_ = 	snop  }
0x5: {  	_ = 	snop  }
0x6: {  	_ = 	snop  }
0x7: {  	_ = 	snop  }
__scs_overlays_trampoline_lowered:
0x8: {  	[smem:$0x3FAC] =	sst s0  }
0x9: {  	[smem:$0x3FAD] =	sst s1  }
0xa: {  	[smem:$0x3FAE] =	sst s2  }
0xb: {  	[smem:$0x3FAF] =	sst s3  }
0xc: {  	[smem:$0x3FB0] =	sst s4  }
0xd: {  	[smem:$0x3FB1] =	sst s5  }
0xe: {  	[smem:$0x3FB2] =	sst s6  }
0xf: {  	[smem:$0x3FB3] =	sst s7  }
0x10: {  	[smem:$0x3FB4] =	sst s8  }
0x11: {  	[smem:$0x3FB5] =	sst s9;
	s0 =	simm.s32 @!p0 $0x0  }
0x12: {  	s1 =	sld [smem:$0x3F9B];
	s0 =	simm.s32 @p0 $0x1  }
0x13: {  	[smem:$0x3FB6] =	sst s0;
	s0 =	simm.s32 @!p1 $0x0  }
0x14: {  	s2 =	sld [smem:$0x3F9A];
	s0 =	simm.s32 @p1 $0x1  }
0x15: {  	[smem:$0x3FB7] =	sst s0;
	s0 =	simm.s32 @!p2 $0x0  }
0x16: {  	s3 =	sld [smem:$0x3FDB];
	s0 =	simm.s32 @p2 $0x1  }
0x17: {  	s4 =	simm.s32 $0x1BF5;
	[smem:$0x3FB9] =	sst s0  }
0x18: {  	s0 =	sld [smem:$0x3F9C];
	_ =	swait.ge [sflag:s4], $0x0  }
0x19: {  	s7 =	sld [smem:$0x3F9D]  }
0x1a: {  	s8 =	sadd.s32 $0xFFFFE003, lr  }
0x1b: {  	s9 =	sadd.s32 $0xFFFFFEF7, lr;
	s5 =	simm.s32 $0xFFFFFFFF;
	p2 =	slt.u32 s8, $0xFFFFF086  }
0x1c: {  	p1 =	slt.u32 s9, $0xF7A;
	s5 =	simm.s32 @!p2 $0x0  }
0x1d: {  	s5 =	simm.s32 @p1 $0x1;
	p0 =	seq.s32 s7, s2  }
0x1e: {  	s7 =	smul.u32 @!p0 $0xF7A, s2;
	p2 =	seq.s32 @!p0 s5, $0x0  }
0x1f: {  	s9 =	smul.u32 $0xF7A, s1;
	s8 =	simm.s32 @!p0 $0x1BF5;
	p2 =	por !p2, p0  }
0x20: {  	[sflag:s8] =	ssyncset.s32 @!p0 $0xFFFFF086;
	s6 =	sadd.s32 @!p0 s3, s7;
	s7 =	simm.s32 @!p0 $0x108  }
0x21: {  	s3 =	sadd.s32 s3, s9;
	s6 =	sadd.s32 @!p0 $0x88, s6;
	s7 =	simm.s32 @p2 $0x1082  }
0x22: {  	[simem:s7], [sflag:s8] =	dma.local @!p0 [hbm:s6], $0xF7A  }
0x23: {  	s9 =	sor.u32 $0xD0000000, s2;
	s6 =	simm.s32 $0x108;
	_ =	swait.ge @!p0 [sflag:s8], $0x0  }
0x24: {  	s3 =	sadd.s32 $0x88, s3;
	s6 =	simm.s32 @!p1 $0x1082;
	[sflag:s4] =	ssyncset.s32 $0xFFFFF086  }
0x25: {  	[simem:s6], [sflag:s4] =	dma.local [hbm:s3], $0xF7A  }
0x26: {  	[smem:$0x3F9D] =	sst s1;
	(tag) =	ssettag s2;
	_ =	strace s9  }
0x27: {  	s1 =	sld [smem:$0x3FAD]  }
0x28: {  	s2 =	sld [smem:$0x3FAE]  }
0x29: {  	s4 =	sld [smem:$0x3FB0]  }
0x2a: {  	p0 =	seq.s32 s5, $0x0;
	s5 =	sld [smem:$0x3FB1]  }
0x2b: {  	s6 =	sld [smem:$0x3FB2]  }
0x2c: {  	s7 =	sld [smem:$0x3FB3]  }
0x2d: {  	s3 =	simm.s32 $0x108;
	s8 =	sld [smem:$0x3FB4]  }
0x2e: {  	s3 =	simm.s32 @!p0 $0x1082;
	s9 =	sld [smem:$0x3FB5]  }
0x2f: {  	lr =	sadd.s32 s0, s3;
	s0 =	sld [smem:$0x3FAC]  }
0x30: {  	s3 =	sld [smem:$0x3FAF]  }
0x31: {  	[smem:$0x3FB8] =	sst s10  }
0x32: {  	s10 =	sld [smem:$0x3FB6];
	_ =	sdelay $0x3  }
0x33: {  	p0 =	seq.s32 s10, $0x1;
	s10 =	sld [smem:$0x3FB8];
	_ =	sdelay $0x3  }
0x34: {  	[smem:$0x3FB8] =	sst s10  }
0x35: {  	s10 =	sld [smem:$0x3FB7];
	_ =	sdelay $0x3  }
0x36: {  	p1 =	seq.s32 s10, $0x1;
	s10 =	sld [smem:$0x3FB8];
	_ =	sdelay $0x3  }
0x37: {  	[smem:$0x3FB8] =	sst s10  }
0x38: {  	s10 =	sld [smem:$0x3FB9]  }
0x39: {  	_ = 	snop;
	(pc) =	sbr.ind lr, $3  }
0x3a: {  	_ = 	snop  }
0x3b: {  	_ = 	snop  }
0x3c: {  	p2 =	seq.s32 s10, $0x1;
	s10 =	sld [smem:$0x3FB8]  }
0x3d: {  	_ =	shalt  }
0x3e: {  	_ =	shalt  }
0x3f: {  	_ =	shalt  }
0x40: {  	_ =	shalt  }
0x41: {  	_ =	shalt  }
0x42: {  	_ =	shalt  }
0x43: {  	_ =	shalt  }
0x44: {  	_ =	shalt  }
0x45: {  	_ =	shalt  }
0x46: {  	_ =	shalt  }
0x47: {  	_ =	shalt  }
0x48: {  	_ =	shalt  }
0x49: {  	_ =	shalt  }
0x4a: {  	_ =	shalt  }
0x4b: {  	_ =	shalt  }
0x4c: {  	_ =	shalt  }
0x4d: {  	_ =	shalt  }
0x4e: {  	_ =	shalt  }
0x4f: {  	_ =	shalt  }
0x50: {  	_ =	shalt  }
0x51: {  	_ =	shalt  }
0x52: {  	_ =	shalt  }
0x53: {  	_ =	shalt  }
0x54: {  	_ =	shalt  }
0x55: {  	_ =	shalt  }
0x56: {  	_ =	shalt  }
0x57: {  	_ =	shalt  }
0x58: {  	_ =	shalt  }
0x59: {  	_ =	shalt  }
0x5a: {  	_ =	shalt  }
0x5b: {  	_ =	shalt  }
0x5c: {  	_ =	shalt  }
0x5d: {  	_ =	shalt  }
0x5e: {  	_ =	shalt  }
0x5f: {  	_ =	shalt  }
0x60: {  	_ =	shalt  }
0x61: {  	_ =	shalt  }
0x62: {  	_ =	shalt  }
0x63: {  	_ =	shalt  }
0x64: {  	_ =	shalt  }
0x65: {  	_ =	shalt  }
0x66: {  	_ =	shalt  }
0x67: {  	_ =	shalt  }
0x68: {  	_ =	shalt  }
0x69: {  	_ =	shalt  }
0x6a: {  	_ =	shalt  }
0x6b: {  	_ =	shalt  }
0x6c: {  	_ =	shalt  }
0x6d: {  	_ =	shalt  }
0x6e: {  	_ =	shalt  }
0x6f: {  	_ =	shalt  }
0x70: {  	_ =	shalt  }
0x71: {  	_ =	shalt  }
0x72: {  	_ =	shalt  }
0x73: {  	_ =	shalt  }
0x74: {  	_ =	shalt  }
0x75: {  	_ =	shalt  }
0x76: {  	_ =	shalt  }
0x77: {  	_ =	shalt  }
0x78: {  	_ =	shalt  }
0x79: {  	_ =	shalt  }
0x7a: {  	_ =	shalt  }
0x7b: {  	_ =	shalt  }
0x7c: {  	_ =	shalt  }
0x7d: {  	_ =	shalt  }
0x7e: {  	_ =	shalt  }
0x7f: {  	_ =	shalt  }
0x80: {  	_ =	shalt  }
0x81: {  	_ =	shalt  }
0x82: {  	_ =	shalt  }
0x83: {  	_ =	shalt  }
0x84: {  	_ =	shalt  }
0x85: {  	_ =	shalt  }
0x86: {  	_ =	shalt  }
0x87: {  	_ =	shalt  }
.Lfunc_end0:
.L_simem_size_0:
called_computation_lowered:
.L_overlay_start_0:
0x88: {  	s2 =	sld [smem:$0x3FD9]  }
0x89: {  	s3 =	sld [smem:$0x3FFE];
	_ =	sdelay $0x1  }
0x8a: {  	s1 =	srdreg.scid  }
0x8b: {  	s0 =	sand.u32 $0x1, s1  }
0x8c: {  	s16 =	sshll.u32 s0, $0xA;
	s2 =	sadd.s32 s3, s2  }
0x8d: {  	s2 =	sadd.s32 s2, s16  }
0x8e: {  	[smem:$0x3FC4] =	sst s2  }
0x8f: {  	_ = 	snop  }
0x90: {  	(tm) =	ssettm $0x1  }
0x91: {  	s17 =	sld [smem:$0x3FFB];
	_ =	sdelay $0x3  }
0x92: {  	_ =	strace s17  }
0x93: {  	s2 =	sld [smem:$0x3FFC];
	_ =	sdelay $0x3  }
0x94: {  	_ =	strace s2  }
0x95: {  	s2 =	sld [smem:$0x3FFD];
	_ =	sdelay $0x3  }
0x96: {  	_ =	strace s2  }
0x97: {  	_ =	strace $0x8FFFFFFF  }
0x98: {  	s18 =	sld [smem:$0x3FDB];
	_ =	sdelay $0x1  }
0x99: {  	s19 =	simm.s32 $_scs_section_size  }
0x9a: {  	s4 =	simm.s32 $_size__tile_overlayer_lowered;
	s5 =	simm.s32 $_tile_overlayer_lowered  }
0x9b: {  	s22 =	simm.s32 $0x1BFF;
	s21 =	sshll.u32 s5, $0x1;
	s2 =	sadd.s32 s19, s18  }
0x9c: {  	s6 =	simm.s32 $0x0;
	s20 =	sshll.u32 s4, $0x1;
	s4 =	sadd.s32 s21, s2  }
0x9d: {  	[timem:s6], [sflag:s22] =	dma.local [hbm:s4], s20  }
0x9e: {  	_ =	swait.ge [sflag:s22], s20  }
0x9f: {  	s3 =	ssub.s32 $0x0, s20;
	[sflag:s22] =	ssyncset.done $0x0  }
0xa0: {  	[sflag:s22] =	ssyncadd.s32 s3;
	_ =	sdelay $0x1  }
0xa1: {  	s23 =	simm.s32 $0x1B8B  }
0xa2: {  	_ =	swait.ge [sflag:s23], $0x1  }
0xa3: {  	[sflag:s23] =	ssyncset.done $0x0  }
0xa4: {  	s25 =	simm.s32 $0x1B8E;
	s24 =	sld [smem:$0x3FFE];
	[sflag:s23] =	ssyncadd.s32 $0xFFFFFFFF  }
0xa5: {  	s26 =	simm.s32 $execute0_lowered;
	[smem:$0x3FD2] =	sst s25  }
0xa6: {  	s4 =	sshll.u32 s26, $0x1;
	_ =	strace $0x80000046;
	[dreg:$0x1] =	wrdreg $0xFFFFFFFF  }
0xa7: {  	s28 =	simm.s32 $_size_execute0_lowered;
	s2 =	sadd.s32 s2, s4;
	[dreg:$0x0] =	wrdreg $0x0  }
0xa8: {  	s4 =	sshll.u32 s28, $0x1;
	[dreg:$0x2] =	wrdreg s2  }
0xa9: {  	[dreg:$0x3] =	wrdreg s4  }
0xaa: {  	[dreg:$0x4] =	wrdreg $0xC0  }
0xab: {  	_ =	task [dreg:s6], $0x5FFFF  }
0xac: {  	[dreg:$0x1] =	wrdreg $0xFFFFFFFF  }
0xad: {  	[dreg:$0x0] =	wrdreg $0x60  }
0xae: {  	[dreg:$0x2] =	wrdreg s24  }
0xaf: {  	[dreg:$0x3] =	wrdreg $0x9  }
0xb0: {  	_ =	task.clear_ibuf [dreg:s6], $0x4FFFF;
	_ =	strace $0x90000046  }
0xb1: {  	s29 =	simm.s32 $0x9;
	_ =	strace $0x80000048  }
0xb2: {  	_ =	swait.ge [sflag:s29], $0x1  }
0xb3: {  	[sflag:s29] =	ssyncadd.s32 $0xFFFFFFFF  }
0xb4: {  	_ =	strace $0x90000048  }
0xb5: {  	_ =	sfence  }
0xb6: {  	s30 =	sld [smem:$0x0];
	_ =	sdelay $0x2  }
0xb7: {  	s31 =	sshll.u32 s1, $0xD;
	s1 =	sshrl.u32 s1, $0x2  }
0xb8: {  	s3 =	sand.u32 $0x4000, s31;
	s1 =	sadd.s32 s1, s30  }
0xb9: {  	s0 =	sor.u32 s3, s0;
	s1 =	sshll.u32 s1, $0x11  }
0xba: {  	s0 =	sor.u32 s1, s0  }
0xbb: {  	s0 =	sadd.s32 $0x8F2B, s0  }
0xbc: {  	[sflag:s0] =	ssyncadd.remote.s32 $0x1  }
0xbd: {  	_ =	sfence.sel $0xFFFF  }
0xbe: {  	[dreg:$0x0] =	wrdreg $0xFFFFFFFF;
	(pc) =	sbr.abs _section_cstart, $3  }
0xbf: {  	[dreg:$0x1] =	wrdreg $0xFFFFFFFF  }
0xc0: {  	_ =	task.clear_ibuf [dreg:s6], $0x2FFFF;
	_ =	strace $0x9FFFFFFF  }
0xc1: {  	(tm) =	ssettm $0x7FFFFFFF  }
tec
execute0_lowered:
.L_overlay_start_1:
0x0: {  	(tag) =	ssettag $0x1  }
0x1: {  	s1 =	srdreg.scid  }
0x2: {  	s0 =	stileid.u32;
	s4 =	rddreg [dreg:$0x0]  }
0x3: {  	s2 =	simm.s32 $0x0;
	s14 =	simm.s32 $0x18700;
	s15 =	simm.s32 $0x2  }
0x4: {  	s16 =	simm.s32 $0x1;
	s6 =	sand.u32 $0x1, s1;
	s31 =	sshll.u32 s0, $0x1  }
0x5: {  	s17 =	simm.s32 $0x1A780;
	s18 =	simm.s32 $0x1C800;
	s5 =	sor.u32 s6, s31  }
0x6: {  	s19 =	simm.s32 $0x3;
	s1 =	rddreg [dreg:$0x1];
	s3 =	smul.u32 $0x10400, s5  }
0x7: {  	s20 =	simm.s32 $0x0;
	[smem:$0x7FF] =	sst s2;
	s5 =	sshll.u32 s5, $0x4  }
0x8: {  	_ =	strace $0x80000047;
	s12 =	sadd.s32 s5, s4;
	s7 =	sshrl.u32 s3, $0x3  }
0x9: {  	s3 =	sadd.s32 $0x30DC00, s4;
	s12 =	sadd.s32 $0x310E00, s12;
	s11 =	sadd.s32 s7, s4  }
0xa: {  	s10 =	ssub.s32 $0x2, s6;
	s4 =	sadd.s32 $0x327200, s11;
	s5 =	sadd.s32 $0x327610, s11  }
0xb: {  	s13 =	sshrl.u32 s10, $0x1;
	s6 =	sadd.s32 $0x327A20, s11;
	s7 =	sadd.s32 $0x327E30, s11  }
0xc: {  	s13 =	ssub.s32 s10, s13;
	s8 =	sadd.s32 $0x328240, s11;
	s9 =	sadd.s32 $0x328650, s11  }
0xd: {  	s13 =	smax.u32 s13, $0x1;
	s10 =	sadd.s32 $0x328A60, s11;
	s11 =	sadd.s32 $0x328E70, s11  }
.LBB2_1:
0xe: {  	[tilespmem:s2], [sflag:$0x2] =	stream.linear.gather [hbm4b:s3+s2], $0x18700, $0x38;
	[tilespmem:$0x1C880] =	vst v63  }
0xf: {  	_ = 	snop  }
0x10: {  	[tilespmem:s14], [sflag:$0x1] =	stream.linear.gather [hbm4b:s4+s2], $0x2080, $0x38;
	[tilespmem:$0x1C880] =	vst v63  }
0x11: {  	_ =	swait.ge [sflag:s15], $0x18700  }
0x12: {  	[sflag:s15] =	ssyncset.done $0x0  }
0x13: {  	[sflag:s15] =	ssyncadd.s32 $0xFFFE7900  }
0x14: {  	_ =	swait.ge [sflag:s16], $0x2080  }
0x15: {  	[sflag:s16] =	ssyncset.done $0x0  }
0x16: {  	s21 =	simm.s32 $0x18720;
	[sflag:s16] =	ssyncadd.s32 $0xFFFFDF80  }
0x17: {  	[tilespmem:s17], [sflag:$0x2] =	stream.linear.gather [hbm4b:s5+s2], $0x2080, $0x38;
	[tilespmem:$0x1C880] =	vst v63  }
0x18: {  	v0 =	vld [tilespmem:s21+$0xFFFFFFE0];
	_ =	sdelay $0x1  }
0x19: {  	v1 =	vld [tilespmem:s21+$0xFFFFFFF0];
	_ =	sdelay $0x1  }
0x1a: {  	v3 =	vld [tilespmem:s21+$0x0]  }
0x1b: {  	v5 =	vld [tilespmem:s21+$0x10]  }
0x1c: {  	s31 =	simm.s32 $0x18760  }
0x1d: {  	v7 =	vld [tilespmem:s31+$0xFFFFFFE0]  }
0x1e: {  	v6 =	vld.idx.msk [tilespmem:v0+s2+$0x0], $0xffff  }
0x1f: {  	v2 =	vld [tilespmem:s31+$0xFFFFFFF0]  }
0x20: {  	v8 =	vld.idx.msk [tilespmem:v1+s2+$0x0], $0xffff  }
0x21: {  	v4 =	vld [tilespmem:s31+$0x0]  }
0x22: {  	v0 =	vld.idx.msk [tilespmem:v3+s2+$0x0], $0xffff;
	v1 =	vimm.f32 $0.0e+00  }
0x23: {  	v3 =	vadd.f32 v6, v1;
	v1 =	vld.idx.msk [tilespmem:v5+s2+$0x0], $0xffff  }
0x24: {  	v5 =	vld [tilespmem:s31+$0x10]  }
0x25: {  	v6 =	vadd.f32 v8, v3  }
0x26: {  	s22 =	simm.s32 $0x187A0;
	s21 =	simm.s32 $0x4;
	v3 =	vld.idx.msk [tilespmem:v7+s2+$0x0], $0xffff  }
.LBB2_2:
0x27: {  	v7 =	vld [tilespmem:s22+$0xFFFFFFE0];
	s21 =	sadd.s32 $0x4, s21;
	v0 =	vadd.f32 v0, v6  }
0x28: {  	p0 =	slt.u32 s21, $0x204;
	v6 =	vld.idx.msk [tilespmem:v2+s2+$0x0], $0xffff  }
0x29: {  	v2 =	vld [tilespmem:s22+$0xFFFFFFF0];
	v1 =	vadd.f32 v1, v0  }
0x2a: {  	v0 =	vld.idx.msk [tilespmem:v4+s2+$0x0], $0xffff  }
.Ltmp0:
0x2b: {  	v4 =	vld [tilespmem:s22+$0x0];
	(pc) =	sbr.rel @p0 .LBB2_2-.Ltmp0, $4  }
0x2c: {  	v3 =	vadd.f32 v3, v1;
	v1 =	vld.idx.msk [tilespmem:v5+s2+$0x0], $0xffff  }
0x2d: {  	v5 =	vld [tilespmem:s22+$0x10]  }
0x2e: {  	v6 =	vadd.f32 v6, v3  }
0x2f: {  	s22 =	sadd.s32 $0x40, s22;
	v3 =	vld.idx.msk [tilespmem:v7+s2+$0x0], $0xffff  }
0x30: {  	_ =	sdelay $0x3  }
0x31: {  	v2 =	vld.idx.msk [tilespmem:v2+s2+$0x0], $0xffff  }
0x32: {  	v4 =	vld.idx.msk [tilespmem:v4+s2+$0x0], $0xffff  }
0x33: {  	v5 =	vld.idx.msk [tilespmem:v5+s2+$0x0], $0xffff;
	_ =	swait.ge [sflag:s15], $0x2080  }
0x34: {  	[sflag:s15] =	ssyncset.done $0x0  }
0x35: {  	s21 =	simm.s32 $0x1A7A0;
	[sflag:s15] =	ssyncadd.s32 $0xFFFFDF80  }
0x36: {  	[tilespmem:s14], [sflag:$0x1] =	stream.linear.gather [hbm4b:s6+s2], $0x2080, $0x38;
	[tilespmem:$0x1C880] =	vst v63  }
0x37: {  	v7 =	vld [tilespmem:s21+$0xFFFFFFE0]  }
0x38: {  	v0 =	vadd.f32 v0, v6  }
0x39: {  	v6 =	vld [tilespmem:s21+$0xFFFFFFF0]  }
0x3a: {  	v0 =	vadd.f32 v1, v0  }
0x3b: {  	v1 =	vld [tilespmem:s21+$0x0]  }
0x3c: {  	v0 =	vadd.f32 v3, v0;
	v3 =	vld [tilespmem:s21+$0x10]  }
0x3d: {  	s31 =	simm.s32 $0x1A7E0  }
0x3e: {  	v0 =	vadd.f32 v2, v0;
	v8 =	vld [tilespmem:s31+$0xFFFFFFE0]  }
0x3f: {  	v7 =	vld.idx.msk [tilespmem:v7+s2+$0x0], $0xffff  }
0x40: {  	v2 =	vld [tilespmem:s31+$0xFFFFFFF0];
	v0 =	vadd.f32 v4, v0  }
0x41: {  	v6 =	vld.idx.msk [tilespmem:v6+s2+$0x0], $0xffff  }
0x42: {  	v4 =	vld [tilespmem:s31+$0x0];
	v5 =	vadd.f32 v5, v0  }
0x43: {  	v0 =	vld.idx.msk [tilespmem:v1+s2+$0x0], $0xffff  }
0x44: {  	v1 =	vld.idx.msk [tilespmem:v3+s2+$0x0], $0xffff;
	v7 =	vadd.f32 v7, v5  }
0x45: {  	v5 =	vld [tilespmem:s31+$0x10]  }
0x46: {  	v6 =	vadd.f32 v6, v7  }
0x47: {  	s22 =	simm.s32 $0x1A820;
	s21 =	simm.s32 $0x4;
	v3 =	vld.idx.msk [tilespmem:v8+s2+$0x0], $0xffff  }
.LBB2_4:
0x48: {  	v7 =	vld [tilespmem:s22+$0xFFFFFFE0];
	s21 =	sadd.s32 $0x4, s21;
	v0 =	vadd.f32 v0, v6  }
0x49: {  	p0 =	slt.u32 s21, $0x204;
	v6 =	vld.idx.msk [tilespmem:v2+s2+$0x0], $0xffff  }
0x4a: {  	v2 =	vld [tilespmem:s22+$0xFFFFFFF0];
	v1 =	vadd.f32 v1, v0  }
0x4b: {  	v0 =	vld.idx.msk [tilespmem:v4+s2+$0x0], $0xffff  }
.Ltmp1:
0x4c: {  	v4 =	vld [tilespmem:s22+$0x0];
	(pc) =	sbr.rel @p0 .LBB2_4-.Ltmp1, $4  }
0x4d: {  	v3 =	vadd.f32 v3, v1;
	v1 =	vld.idx.msk [tilespmem:v5+s2+$0x0], $0xffff  }
0x4e: {  	v5 =	vld [tilespmem:s22+$0x10]  }
0x4f: {  	v6 =	vadd.f32 v6, v3  }
0x50: {  	s22 =	sadd.s32 $0x40, s22;
	v3 =	vld.idx.msk [tilespmem:v7+s2+$0x0], $0xffff  }
0x51: {  	_ =	sdelay $0x3  }
0x52: {  	v2 =	vld.idx.msk [tilespmem:v2+s2+$0x0], $0xffff  }
0x53: {  	v4 =	vld.idx.msk [tilespmem:v4+s2+$0x0], $0xffff  }
0x54: {  	v5 =	vld.idx.msk [tilespmem:v5+s2+$0x0], $0xffff;
	_ =	swait.ge [sflag:s16], $0x2080  }
0x55: {  	[sflag:s16] =	ssyncset.done $0x0  }
0x56: {  	s21 =	simm.s32 $0x18720;
	[sflag:s16] =	ssyncadd.s32 $0xFFFFDF80  }
0x57: {  	[tilespmem:s17], [sflag:$0x2] =	stream.linear.gather [hbm4b:s7+s2], $0x2080, $0x38;
	[tilespmem:$0x1C880] =	vst v63  }
0x58: {  	v7 =	vld [tilespmem:s21+$0xFFFFFFE0]  }
0x59: {  	v0 =	vadd.f32 v0, v6  }
0x5a: {  	v6 =	vld [tilespmem:s21+$0xFFFFFFF0]  }
0x5b: {  	v0 =	vadd.f32 v1, v0  }
0x5c: {  	v1 =	vld [tilespmem:s21+$0x0]  }
0x5d: {  	v0 =	vadd.f32 v3, v0;
	v3 =	vld [tilespmem:s21+$0x10]  }
0x5e: {  	s31 =	simm.s32 $0x18760  }
0x5f: {  	v0 =	vadd.f32 v2, v0;
	v8 =	vld [tilespmem:s31+$0xFFFFFFE0]  }
0x60: {  	v7 =	vld.idx.msk [tilespmem:v7+s2+$0x0], $0xffff  }
0x61: {  	v2 =	vld [tilespmem:s31+$0xFFFFFFF0];
	v0 =	vadd.f32 v4, v0  }
0x62: {  	v6 =	vld.idx.msk [tilespmem:v6+s2+$0x0], $0xffff  }
0x63: {  	v4 =	vld [tilespmem:s31+$0x0];
	v5 =	vadd.f32 v5, v0  }
0x64: {  	v0 =	vld.idx.msk [tilespmem:v1+s2+$0x0], $0xffff  }
0x65: {  	v1 =	vld.idx.msk [tilespmem:v3+s2+$0x0], $0xffff;
	v7 =	vadd.f32 v7, v5  }
0x66: {  	v5 =	vld [tilespmem:s31+$0x10]  }
0x67: {  	v6 =	vadd.f32 v6, v7  }
0x68: {  	s22 =	simm.s32 $0x187A0;
	s21 =	simm.s32 $0x4;
	v3 =	vld.idx.msk [tilespmem:v8+s2+$0x0], $0xffff  }
.LBB2_6:
0x69: {  	v7 =	vld [tilespmem:s22+$0xFFFFFFE0];
	s21 =	sadd.s32 $0x4, s21;
	v0 =	vadd.f32 v0, v6  }
0x6a: {  	p0 =	slt.u32 s21, $0x204;
	v6 =	vld.idx.msk [tilespmem:v2+s2+$0x0], $0xffff  }
0x6b: {  	v2 =	vld [tilespmem:s22+$0xFFFFFFF0];
	v1 =	vadd.f32 v1, v0  }
0x6c: {  	v0 =	vld.idx.msk [tilespmem:v4+s2+$0x0], $0xffff  }
.Ltmp2:
0x6d: {  	v4 =	vld [tilespmem:s22+$0x0];
	(pc) =	sbr.rel @p0 .LBB2_6-.Ltmp2, $4  }
0x6e: {  	v3 =	vadd.f32 v3, v1;
	v1 =	vld.idx.msk [tilespmem:v5+s2+$0x0], $0xffff  }
0x6f: {  	v5 =	vld [tilespmem:s22+$0x10]  }
0x70: {  	v6 =	vadd.f32 v6, v3  }
0x71: {  	s22 =	sadd.s32 $0x40, s22;
	v3 =	vld.idx.msk [tilespmem:v7+s2+$0x0], $0xffff  }
0x72: {  	_ =	sdelay $0x3  }
0x73: {  	v2 =	vld.idx.msk [tilespmem:v2+s2+$0x0], $0xffff  }
0x74: {  	v4 =	vld.idx.msk [tilespmem:v4+s2+$0x0], $0xffff  }
0x75: {  	v5 =	vld.idx.msk [tilespmem:v5+s2+$0x0], $0xffff;
	_ =	swait.ge [sflag:s15], $0x2080  }
0x76: {  	[sflag:s15] =	ssyncset.done $0x0  }
0x77: {  	s21 =	simm.s32 $0x1A7A0;
	[sflag:s15] =	ssyncadd.s32 $0xFFFFDF80  }
0x78: {  	[tilespmem:s14], [sflag:$0x1] =	stream.linear.gather [hbm4b:s8+s2], $0x2080, $0x38;
	[tilespmem:$0x1C880] =	vst v63  }
0x79: {  	v7 =	vld [tilespmem:s21+$0xFFFFFFE0]  }
0x7a: {  	v0 =	vadd.f32 v0, v6  }
0x7b: {  	v6 =	vld [tilespmem:s21+$0xFFFFFFF0]  }
0x7c: {  	v0 =	vadd.f32 v1, v0  }
0x7d: {  	v1 =	vld [tilespmem:s21+$0x0]  }
0x7e: {  	v0 =	vadd.f32 v3, v0;
	v3 =	vld [tilespmem:s21+$0x10]  }
0x7f: {  	s31 =	simm.s32 $0x1A7E0  }
0x80: {  	v0 =	vadd.f32 v2, v0;
	v8 =	vld [tilespmem:s31+$0xFFFFFFE0]  }
0x81: {  	v7 =	vld.idx.msk [tilespmem:v7+s2+$0x0], $0xffff  }
0x82: {  	v2 =	vld [tilespmem:s31+$0xFFFFFFF0];
	v0 =	vadd.f32 v4, v0  }
0x83: {  	v6 =	vld.idx.msk [tilespmem:v6+s2+$0x0], $0xffff  }
0x84: {  	v4 =	vld [tilespmem:s31+$0x0];
	v5 =	vadd.f32 v5, v0  }
0x85: {  	v0 =	vld.idx.msk [tilespmem:v1+s2+$0x0], $0xffff  }
0x86: {  	v1 =	vld.idx.msk [tilespmem:v3+s2+$0x0], $0xffff;
	v7 =	vadd.f32 v7, v5  }
0x87: {  	v5 =	vld [tilespmem:s31+$0x10]  }
0x88: {  	v6 =	vadd.f32 v6, v7  }
0x89: {  	s22 =	simm.s32 $0x1A820;
	s21 =	simm.s32 $0x4;
	v3 =	vld.idx.msk [tilespmem:v8+s2+$0x0], $0xffff  }
.LBB2_8:
0x8a: {  	v7 =	vld [tilespmem:s22+$0xFFFFFFE0];
	s21 =	sadd.s32 $0x4, s21;
	v0 =	vadd.f32 v0, v6  }
0x8b: {  	p0 =	slt.u32 s21, $0x204;
	v6 =	vld.idx.msk [tilespmem:v2+s2+$0x0], $0xffff  }
0x8c: {  	v2 =	vld [tilespmem:s22+$0xFFFFFFF0];
	v1 =	vadd.f32 v1, v0  }
0x8d: {  	v0 =	vld.idx.msk [tilespmem:v4+s2+$0x0], $0xffff  }
.Ltmp3:
0x8e: {  	v4 =	vld [tilespmem:s22+$0x0];
	(pc) =	sbr.rel @p0 .LBB2_8-.Ltmp3, $4  }
0x8f: {  	v3 =	vadd.f32 v3, v1;
	v1 =	vld.idx.msk [tilespmem:v5+s2+$0x0], $0xffff  }
0x90: {  	v5 =	vld [tilespmem:s22+$0x10]  }
0x91: {  	v6 =	vadd.f32 v6, v3  }
0x92: {  	s22 =	sadd.s32 $0x40, s22;
	v3 =	vld.idx.msk [tilespmem:v7+s2+$0x0], $0xffff  }
0x93: {  	_ =	sdelay $0x3  }
0x94: {  	v2 =	vld.idx.msk [tilespmem:v2+s2+$0x0], $0xffff  }
0x95: {  	v4 =	vld.idx.msk [tilespmem:v4+s2+$0x0], $0xffff  }
0x96: {  	v5 =	vld.idx.msk [tilespmem:v5+s2+$0x0], $0xffff;
	_ =	swait.ge [sflag:s16], $0x2080  }
0x97: {  	[sflag:s16] =	ssyncset.done $0x0  }
0x98: {  	s21 =	simm.s32 $0x18720;
	[sflag:s16] =	ssyncadd.s32 $0xFFFFDF80  }
0x99: {  	[tilespmem:s17], [sflag:$0x2] =	stream.linear.gather [hbm4b:s9+s2], $0x2080, $0x38;
	[tilespmem:$0x1C880] =	vst v63  }
0x9a: {  	v7 =	vld [tilespmem:s21+$0xFFFFFFE0]  }
0x9b: {  	v0 =	vadd.f32 v0, v6  }
0x9c: {  	v6 =	vld [tilespmem:s21+$0xFFFFFFF0]  }
0x9d: {  	v0 =	vadd.f32 v1, v0  }
0x9e: {  	v1 =	vld [tilespmem:s21+$0x0]  }
0x9f: {  	v0 =	vadd.f32 v3, v0;
	v3 =	vld [tilespmem:s21+$0x10]  }
0xa0: {  	s31 =	simm.s32 $0x18760  }
0xa1: {  	v0 =	vadd.f32 v2, v0;
	v8 =	vld [tilespmem:s31+$0xFFFFFFE0]  }
0xa2: {  	v7 =	vld.idx.msk [tilespmem:v7+s2+$0x0], $0xffff  }
0xa3: {  	v2 =	vld [tilespmem:s31+$0xFFFFFFF0];
	v0 =	vadd.f32 v4, v0  }
0xa4: {  	v6 =	vld.idx.msk [tilespmem:v6+s2+$0x0], $0xffff  }
0xa5: {  	v4 =	vld [tilespmem:s31+$0x0];
	v5 =	vadd.f32 v5, v0  }
0xa6: {  	v0 =	vld.idx.msk [tilespmem:v1+s2+$0x0], $0xffff  }
0xa7: {  	v1 =	vld.idx.msk [tilespmem:v3+s2+$0x0], $0xffff;
	v7 =	vadd.f32 v7, v5  }
0xa8: {  	v5 =	vld [tilespmem:s31+$0x10]  }
0xa9: {  	v6 =	vadd.f32 v6, v7  }
0xaa: {  	s22 =	simm.s32 $0x187A0;
	s21 =	simm.s32 $0x4;
	v3 =	vld.idx.msk [tilespmem:v8+s2+$0x0], $0xffff  }
.LBB2_10:
0xab: {  	v7 =	vld [tilespmem:s22+$0xFFFFFFE0];
	s21 =	sadd.s32 $0x4, s21;
	v0 =	vadd.f32 v0, v6  }
0xac: {  	p0 =	slt.u32 s21, $0x204;
	v6 =	vld.idx.msk [tilespmem:v2+s2+$0x0], $0xffff  }
0xad: {  	v2 =	vld [tilespmem:s22+$0xFFFFFFF0];
	v1 =	vadd.f32 v1, v0  }
0xae: {  	v0 =	vld.idx.msk [tilespmem:v4+s2+$0x0], $0xffff  }
.Ltmp4:
0xaf: {  	v4 =	vld [tilespmem:s22+$0x0];
	(pc) =	sbr.rel @p0 .LBB2_10-.Ltmp4, $4  }
0xb0: {  	v3 =	vadd.f32 v3, v1;
	v1 =	vld.idx.msk [tilespmem:v5+s2+$0x0], $0xffff  }
0xb1: {  	v5 =	vld [tilespmem:s22+$0x10]  }
0xb2: {  	v6 =	vadd.f32 v6, v3  }
0xb3: {  	s22 =	sadd.s32 $0x40, s22;
	v3 =	vld.idx.msk [tilespmem:v7+s2+$0x0], $0xffff  }
0xb4: {  	_ =	sdelay $0x3  }
0xb5: {  	v2 =	vld.idx.msk [tilespmem:v2+s2+$0x0], $0xffff  }
0xb6: {  	v4 =	vld.idx.msk [tilespmem:v4+s2+$0x0], $0xffff  }
0xb7: {  	v5 =	vld.idx.msk [tilespmem:v5+s2+$0x0], $0xffff;
	_ =	swait.ge [sflag:s15], $0x2080  }
0xb8: {  	[sflag:s15] =	ssyncset.done $0x0  }
0xb9: {  	s21 =	simm.s32 $0x1A7A0;
	[sflag:s15] =	ssyncadd.s32 $0xFFFFDF80  }
0xba: {  	[tilespmem:s14], [sflag:$0x1] =	stream.linear.gather [hbm4b:s10+s2], $0x2080, $0x38;
	[tilespmem:$0x1C880] =	vst v63  }
0xbb: {  	v7 =	vld [tilespmem:s21+$0xFFFFFFE0]  }
0xbc: {  	v0 =	vadd.f32 v0, v6  }
0xbd: {  	v6 =	vld [tilespmem:s21+$0xFFFFFFF0]  }
0xbe: {  	v0 =	vadd.f32 v1, v0  }
0xbf: {  	v1 =	vld [tilespmem:s21+$0x0]  }
0xc0: {  	v0 =	vadd.f32 v3, v0;
	v3 =	vld [tilespmem:s21+$0x10]  }
0xc1: {  	s31 =	simm.s32 $0x1A7E0  }
0xc2: {  	v0 =	vadd.f32 v2, v0;
	v8 =	vld [tilespmem:s31+$0xFFFFFFE0]  }
0xc3: {  	v7 =	vld.idx.msk [tilespmem:v7+s2+$0x0], $0xffff  }
0xc4: {  	v2 =	vld [tilespmem:s31+$0xFFFFFFF0];
	v0 =	vadd.f32 v4, v0  }
0xc5: {  	v6 =	vld.idx.msk [tilespmem:v6+s2+$0x0], $0xffff  }
0xc6: {  	v4 =	vld [tilespmem:s31+$0x0];
	v5 =	vadd.f32 v5, v0  }
0xc7: {  	v0 =	vld.idx.msk [tilespmem:v1+s2+$0x0], $0xffff  }
0xc8: {  	v1 =	vld.idx.msk [tilespmem:v3+s2+$0x0], $0xffff;
	v7 =	vadd.f32 v7, v5  }
0xc9: {  	v5 =	vld [tilespmem:s31+$0x10]  }
0xca: {  	v6 =	vadd.f32 v6, v7  }
0xcb: {  	s22 =	simm.s32 $0x1A820;
	s21 =	simm.s32 $0x4;
	v3 =	vld.idx.msk [tilespmem:v8+s2+$0x0], $0xffff  }
.LBB2_12:
0xcc: {  	v7 =	vld [tilespmem:s22+$0xFFFFFFE0];
	s21 =	sadd.s32 $0x4, s21;
	v0 =	vadd.f32 v0, v6  }
0xcd: {  	p0 =	slt.u32 s21, $0x204;
	v6 =	vld.idx.msk [tilespmem:v2+s2+$0x0], $0xffff  }
0xce: {  	v2 =	vld [tilespmem:s22+$0xFFFFFFF0];
	v1 =	vadd.f32 v1, v0  }
0xcf: {  	v0 =	vld.idx.msk [tilespmem:v4+s2+$0x0], $0xffff  }
.Ltmp5:
0xd0: {  	v4 =	vld [tilespmem:s22+$0x0];
	(pc) =	sbr.rel @p0 .LBB2_12-.Ltmp5, $4  }
0xd1: {  	v3 =	vadd.f32 v3, v1;
	v1 =	vld.idx.msk [tilespmem:v5+s2+$0x0], $0xffff  }
0xd2: {  	v5 =	vld [tilespmem:s22+$0x10]  }
0xd3: {  	v6 =	vadd.f32 v6, v3  }
0xd4: {  	s22 =	sadd.s32 $0x40, s22;
	v3 =	vld.idx.msk [tilespmem:v7+s2+$0x0], $0xffff  }
0xd5: {  	_ =	sdelay $0x3  }
0xd6: {  	v2 =	vld.idx.msk [tilespmem:v2+s2+$0x0], $0xffff  }
0xd7: {  	v4 =	vld.idx.msk [tilespmem:v4+s2+$0x0], $0xffff  }
0xd8: {  	v5 =	vld.idx.msk [tilespmem:v5+s2+$0x0], $0xffff;
	_ =	swait.ge [sflag:s16], $0x2080  }
0xd9: {  	[sflag:s16] =	ssyncset.done $0x0  }
0xda: {  	s21 =	simm.s32 $0x18720;
	[sflag:s16] =	ssyncadd.s32 $0xFFFFDF80  }
0xdb: {  	[tilespmem:s17], [sflag:$0x2] =	stream.linear.gather [hbm4b:s11+s2], $0x2080, $0x38;
	[tilespmem:$0x1C880] =	vst v63  }
0xdc: {  	v7 =	vld [tilespmem:s21+$0xFFFFFFE0]  }
0xdd: {  	v0 =	vadd.f32 v0, v6  }
0xde: {  	v6 =	vld [tilespmem:s21+$0xFFFFFFF0]  }
0xdf: {  	v0 =	vadd.f32 v1, v0  }
0xe0: {  	v8 =	vld [tilespmem:s21+$0x0]  }
0xe1: {  	v0 =	vadd.f32 v3, v0;
	v9 =	vld [tilespmem:s21+$0x10]  }
0xe2: {  	s31 =	simm.s32 $0x18760  }
0xe3: {  	v0 =	vadd.f32 v2, v0;
	v10 =	vld [tilespmem:s31+$0xFFFFFFE0]  }
0xe4: {  	v2 =	vld.idx.msk [tilespmem:v7+s2+$0x0], $0xffff  }
0xe5: {  	v1 =	vld [tilespmem:s31+$0xFFFFFFF0];
	v0 =	vadd.f32 v4, v0  }
0xe6: {  	v4 =	vld.idx.msk [tilespmem:v6+s2+$0x0], $0xffff  }
0xe7: {  	v3 =	vld [tilespmem:s31+$0x0];
	v5 =	vadd.f32 v5, v0  }
0xe8: {  	v0 =	vld.idx.msk [tilespmem:v8+s2+$0x0], $0xffff  }
0xe9: {  	v6 =	vadd.f32 v2, v5;
	v2 =	vld.idx.msk [tilespmem:v9+s2+$0x0], $0xffff  }
0xea: {  	v5 =	vld [tilespmem:s31+$0x10]  }
0xeb: {  	v6 =	vadd.f32 v4, v6  }
0xec: {  	s22 =	simm.s32 $0x187A0;
	s21 =	simm.s32 $0x4;
	v4 =	vld.idx.msk [tilespmem:v10+s2+$0x0], $0xffff  }
.LBB2_14:
0xed: {  	v7 =	vld [tilespmem:s22+$0xFFFFFFE0];
	s21 =	sadd.s32 $0x4, s21;
	v0 =	vadd.f32 v0, v6  }
0xee: {  	p0 =	slt.u32 s21, $0x204;
	v6 =	vld.idx.msk [tilespmem:v1+s2+$0x0], $0xffff  }
0xef: {  	v1 =	vld [tilespmem:s22+$0xFFFFFFF0];
	v2 =	vadd.f32 v2, v0  }
0xf0: {  	v0 =	vld.idx.msk [tilespmem:v3+s2+$0x0], $0xffff  }
.Ltmp6:
0xf1: {  	v3 =	vld [tilespmem:s22+$0x0];
	(pc) =	sbr.rel @p0 .LBB2_14-.Ltmp6, $4  }
0xf2: {  	v4 =	vadd.f32 v4, v2;
	v2 =	vld.idx.msk [tilespmem:v5+s2+$0x0], $0xffff  }
0xf3: {  	v5 =	vld [tilespmem:s22+$0x10]  }
0xf4: {  	v6 =	vadd.f32 v6, v4  }
0xf5: {  	s22 =	sadd.s32 $0x40, s22;
	v4 =	vld.idx.msk [tilespmem:v7+s2+$0x0], $0xffff  }
0xf6: {  	_ =	sdelay $0x3  }
0xf7: {  	v1 =	vld.idx.msk [tilespmem:v1+s2+$0x0], $0xffff  }
0xf8: {  	v3 =	vld.idx.msk [tilespmem:v3+s2+$0x0], $0xffff  }
0xf9: {  	v5 =	vld.idx.msk [tilespmem:v5+s2+$0x0], $0xffff;
	_ =	swait.ge [sflag:s15], $0x2080  }
0xfa: {  	[sflag:s15] =	ssyncset.done $0x0  }
0xfb: {  	s21 =	simm.s32 $0x1A7A0;
	[sflag:s15] =	ssyncadd.s32 $0xFFFFDF80  }
0xfc: {  	v7 =	vld [tilespmem:s21+$0xFFFFFFE0]  }
0xfd: {  	v0 =	vadd.f32 v0, v6  }
0xfe: {  	v6 =	vld [tilespmem:s21+$0xFFFFFFF0]  }
0xff: {  	v0 =	vadd.f32 v2, v0  }
0x100: {  	v2 =	vld [tilespmem:s21+$0x0]  }
0x101: {  	v0 =	vadd.f32 v4, v0;
	v4 =	vld [tilespmem:s21+$0x10]  }
0x102: {  	s31 =	simm.s32 $0x1A7E0  }
0x103: {  	v8 =	vld [tilespmem:s31+$0xFFFFFFE0];
	v0 =	vadd.f32 v1, v0  }
0x104: {  	v7 =	vld.idx.msk [tilespmem:v7+s2+$0x0], $0xffff  }
0x105: {  	v1 =	vadd.f32 v3, v0;
	v0 =	vld [tilespmem:s31+$0xFFFFFFF0]  }
0x106: {  	v6 =	vld.idx.msk [tilespmem:v6+s2+$0x0], $0xffff  }
0x107: {  	v5 =	vadd.f32 v5, v1;
	v1 =	vld [tilespmem:s31+$0x0]  }
0x108: {  	v3 =	vld.idx.msk [tilespmem:v2+s2+$0x0], $0xffff  }
0x109: {  	v4 =	vld.idx.msk [tilespmem:v4+s2+$0x0], $0xffff;
	v5 =	vadd.f32 v7, v5  }
0x10a: {  	v2 =	vld [tilespmem:s31+$0x10]  }
0x10b: {  	v6 =	vadd.f32 v6, v5  }
0x10c: {  	s22 =	simm.s32 $0x1A820;
	s21 =	simm.s32 $0x4;
	v5 =	vld.idx.msk [tilespmem:v8+s2+$0x0], $0xffff  }
.LBB2_16:
0x10d: {  	v7 =	vld [tilespmem:s22+$0xFFFFFFE0];
	s21 =	sadd.s32 $0x4, s21;
	v3 =	vadd.f32 v3, v6  }
0x10e: {  	p0 =	slt.u32 s21, $0x204;
	v6 =	vld.idx.msk [tilespmem:v0+s2+$0x0], $0xffff  }
0x10f: {  	v0 =	vld [tilespmem:s22+$0xFFFFFFF0];
	v4 =	vadd.f32 v4, v3  }
0x110: {  	v3 =	vld.idx.msk [tilespmem:v1+s2+$0x0], $0xffff  }
.Ltmp7:
0x111: {  	v1 =	vld [tilespmem:s22+$0x0];
	(pc) =	sbr.rel @p0 .LBB2_16-.Ltmp7, $4  }
0x112: {  	v5 =	vadd.f32 v5, v4;
	v4 =	vld.idx.msk [tilespmem:v2+s2+$0x0], $0xffff  }
0x113: {  	v2 =	vld [tilespmem:s22+$0x10]  }
0x114: {  	v6 =	vadd.f32 v6, v5  }
0x115: {  	s22 =	sadd.s32 $0x40, s22;
	v5 =	vld.idx.msk [tilespmem:v7+s2+$0x0], $0xffff  }
0x116: {  	_ =	sdelay $0x2  }
0x117: {  	v3 =	vadd.f32 v3, v6  }
0x118: {  	v0 =	vld.idx.msk [tilespmem:v0+s2+$0x0], $0xffff  }
0x119: {  	v3 =	vadd.f32 v4, v3  }
0x11a: {  	v1 =	vld.idx.msk [tilespmem:v1+s2+$0x0], $0xffff  }
0x11b: {  	v3 =	vadd.f32 v5, v3  }
0x11c: {  	v2 =	vld.idx.msk [tilespmem:v2+s2+$0x0], $0xffff  }
0x11d: {  	v0 =	vadd.f32 v0, v3;
	_ =	sdelay $0x1  }
0x11e: {  	v0 =	vadd.f32 v1, v0;
	_ =	sdelay $0x1  }
0x11f: {  	s20 =	sadd.s32 $0x1, s20;
	v0 =	vadd.f32 v2, v0  }
0x120: {  	p0 =	sne.s32 s20, s13  }
.Ltmp8:
0x121: {  	[tilespmem:$0x1C800] =	vst v0;
	(pc) =	sbr.rel @p0 .LBB2_1-.Ltmp8, $4  }
0x122: {  	[hbm4b:s12+s2] =	stream.linear.scatter [tilespmem:s18], [sflag:$0x3], $0x80, $0x38;
	[tilespmem:$0x1C880] =	vst v63  }
0x123: {  	_ =	swait.ge [sflag:s19], $0x80  }
0x124: {  	[sflag:s19] =	ssyncset.done $0x0  }
0x125: {  	[sflag:s19] =	ssyncadd.s32 $0xFFFFFF80  }
0x126: {  	_ =	sfence.sel $0x180000  }
0x127: {  	[bflag:$0x0] =	sbarrier.arrive $0xFFFF  }
0x128: {  	p0 =	sne.s32 s0, $0x0;
	_ =	strace $0x90000047  }
0x129: {  	s0 =	sadd.s32 @!p0 $0x100000, s1;
	[bflag:$0x2] =	sbarrier.arrive $0xFFFF  }
0x12a: {  	[sflag:s0] =	ssyncadd.tile.s32 @!p0 $0x1;
	_ =	shalt  }
.Lfunc_end2:
_tile_overlayer_lowered:
.L_overlay_start_2:
0x12b: {  	(tag) =	ssettag $0x2  }
0x12c: {  	s0 =	rddreg [dreg:$0x0];
	s2 =	stileid.u32  }
0x12d: {  	s1 =	rddreg [dreg:$0x1];
	p0 =	sne.s32 s2, $0x0  }
0x12e: {  	s3 =	rddreg [dreg:$0x2];
	[bflag:$0x3] =	sbarrier.arrive $0xFFFF;
	s2 =	simm.s32 @!p0 $0x1C03  }
0x12f: {  	[timem:s3], [sflag:s2] =	dma.local @!p0 [hbm:s0], s1  }
0x130: {  	s0 =	simm.s32 @!p0 $0x3  }
0x131: {  	_ =	swait.ge @!p0 [sflag:s0], s1  }
0x132: {  	s1 =	ssub.s32 @!p0 $0x0, s1;
	[sflag:s0] =	ssyncset.done @!p0 $0x0  }
0x133: {  	[sflag:s0] =	ssyncadd.s32 @!p0 s1  }
0x134: {  	[bflag:$0x3] =	sbarrier.arrive $0xFFFF  }
0x135: {  	_ =	shalt  }

</sc_bundles>
